<compile_context>
chip_gen: v7x
topology: tpu7x:2x2x1
jax: 0.10.2.dev20260603
libtpu: 0.0.44.dev20260713+nightly
codegen_flags: <defaults>
</compile_context>

<pallas_src>
import functools

import jax
import jax.numpy as jnp
from jax import lax
from jax.experimental import pallas as pl
from jax.experimental.pallas import tpu as pltpu
from jax.experimental.pallas import tpu_sc as plsc

NUM_CORES = 2
NUM_SUBCORES = 16
NW = NUM_CORES * NUM_SUBCORES
B = 16384
D = 128
RPW = B // NW
CHUNK = 128
CPW = RPW // CHUNK
PAIR = 2 * CHUNK
PPT = CPW // 2
NPAIR = 2 * PPT
NBUF = 3

RELK = 1024
TCB = 2048


def _ht_body(h_idx, t_idx, ent_hbm, h_out, t_out, idx_v, bufs, gsem, wsem):
    wid = lax.axis_index("s") * NUM_CORES + lax.axis_index("c")
    base = wid * RPW
    row0 = wid * CPW

    for tbl_i, idx_hbm in enumerate((h_idx, t_idx)):
        pltpu.sync_copy(idx_hbm.at[pl.ds(row0, CPW)], idx_v.at[tbl_i])

    outs = (h_out, t_out)

    def start_pair(p):
        tbl_i, half = divmod(p, PPT)
        return [pltpu.async_copy(
                    ent_hbm.at[idx_v.at[tbl_i].at[half * 2 + k]],
                    bufs.at[p % NBUF].at[pl.ds(k * CHUNK, CHUNK)], gsem)
                for k in range(2)]

    def start_wb(p):
        tbl_i, half = divmod(p, PPT)
        return pltpu.async_copy(
            bufs.at[p % NBUF], outs[tbl_i].at[pl.ds(base + half * PAIR, PAIR)], wsem)

    g = [None] * NPAIR
    w = [None] * NPAIR
    for p in range(NBUF):
        g[p] = start_pair(p)
    for p in range(NPAIR):
        if 0 < p <= NPAIR - NBUF:
            w[p - 1].wait()
            g[p - 1 + NBUF] = start_pair(p - 1 + NBUF)
        for hnd in g[p]:
            hnd.wait()
        w[p] = start_wb(p)
    for p in range(max(0, NPAIR - NBUF), NPAIR):
        w[p].wait()


def _ht_gather(h2, t2, entity_emb):
    mesh = plsc.VectorSubcoreMesh(core_axis_name="c", subcore_axis_name="s")
    out_t = (jax.ShapeDtypeStruct((B, D), jnp.float32),) * 2
    run = functools.partial(
        pl.kernel, mesh=mesh,
        out_type=out_t,
        scratch_types=[
            pltpu.VMEM((2, CPW, CHUNK), jnp.int32),
            pltpu.VMEM((NBUF, PAIR, D), jnp.float32),
            pltpu.SemaphoreType.DMA,
            pltpu.SemaphoreType.DMA,
        ],
    )(_ht_body)
    return run(h2, t2, entity_emb)


def _rel_body(idx_ref, tbl_ref, out_ref):
    kcol = lax.broadcasted_iota(jnp.int32, (RELK, 1), 0)
    tbl = tbl_ref[...]
    for s in range(0, 16, 2):
        row2 = idx_ref[s:s + 2, :].reshape(1, 256)
        oh = (kcol == row2).astype(jnp.bfloat16)
        out_ref[pl.ds(s * 128, 256), :] = lax.dot_general(
            oh, tbl, (((0,), (0,)), ((), ())),
            preferred_element_type=jnp.float32)


def _rel_gather(r2, rel_padded):
    return pl.pallas_call(
        _rel_body,
        grid=(B // TCB,),
        in_specs=[pl.BlockSpec((16, 128), lambda i: (i, 0)),
                  pl.BlockSpec((RELK, D), lambda i: (0, 0))],
        out_specs=pl.BlockSpec((TCB, D), lambda i: (i, 0)),
        out_shape=jax.ShapeDtypeStruct((B, D), jnp.float32),
    )(r2, rel_padded)


def kernel(h, r, t, entity_emb, relation_emb):
    h2 = h.astype(jnp.int32).reshape(B // CHUNK, CHUNK)
    t2 = t.astype(jnp.int32).reshape(B // CHUNK, CHUNK)
    h_emb, t_emb = _ht_gather(h2, t2, entity_emb)
    rel_padded = jnp.pad(
        relation_emb, ((0, RELK - relation_emb.shape[0]), (0, 0))
    ).astype(jnp.bfloat16)
    r_emb = _rel_gather(r.astype(jnp.int32).reshape(B // 128, 128), rel_padded)
    return (h_emb, r_emb, t_emb)

# --- scband reference (transcript-rebuilt; emitter-appended) ---
"""Pipeline reference for scband-trans-e-87565793231141 (READ-ONLY COPY).

The authoritative reference and input builder live on the scoring server;
editing this copy changes nothing except your own understanding.
"""

import jax, jax.numpy as jnp
import numpy as np

NUM_ENTITIES = 1000000
NUM_RELATIONS = 1000
EMBED_DIM = 128
BATCH = 16384

def _xavier_uniform(key, shape):
    fan_in, fan_out = shape[0], shape[1]
    limit = float(np.sqrt(6.0 / (fan_in + fan_out)))
    return jax.random.uniform(key, shape, dtype=jnp.float32, minval=-limit, maxval=limit)

def setup_inputs(seed: int = 0) -> dict:
    key = jax.random.key(seed)
    k_h, k_r, k_t, k_ent, k_rel = jax.random.split(key, 5)
    h = jax.random.randint(k_h, (BATCH,), 0, NUM_ENTITIES, dtype=jnp.int64 if jax.config.jax_enable_x64 else jnp.int32)
    r = jax.random.randint(k_r, (BATCH,), 0, NUM_RELATIONS, dtype=jnp.int64 if jax.config.jax_enable_x64 else jnp.int32)
    t = jax.random.randint(k_t, (BATCH,), 0, NUM_ENTITIES, dtype=jnp.int64 if jax.config.jax_enable_x64 else jnp.int32)
    entity_emb = _xavier_uniform(k_ent, (NUM_ENTITIES, EMBED_DIM))
    relation_emb = _xavier_uniform(k_rel, (NUM_RELATIONS, EMBED_DIM))
    return {"h": h, "r": r, "t": t, "entity_emb": entity_emb, "relation_emb": relation_emb}

def reference(h, r, t, entity_emb, relation_emb):
    # TransE.forward: three embedding lookups (gathers)
    h_emb = jnp.take(entity_emb, h, axis=0)
    r_emb = jnp.take(relation_emb, r, axis=0)
    t_emb = jnp.take(entity_emb, t, axis=0)
    return (h_emb, r_emb, t_emb)

if __name__ == "__main__":
    import jax
    _d = setup_inputs()
    print(jax.jit(kernel)(*tuple(_d.values())))

</pallas_src>

<mosaic_0001>
#map = affine_map<(d0, d1) -> (0, 0)>
module attributes {stable_mosaic.version = 14 : i64} {
  func.func @_ht_body(%arg0: i32, %arg1: i32, %arg2: memref<128x128xi32, #tpu.memory_space<hbm>>, %arg3: memref<128x128xi32, #tpu.memory_space<hbm>>, %arg4: memref<1000000x128xf32, #tpu.memory_space<hbm>>, %arg5: memref<16384x128xf32, #tpu.memory_space<hbm>>, %arg6: memref<16384x128xf32, #tpu.memory_space<hbm>>, %arg7: memref<2x4x128xi32, #tpu.memory_space<vmem>>, %arg8: memref<3x256x128xf32, #tpu.memory_space<vmem>>, %arg9: memref<!tpu.dma_semaphore, #tpu.memory_space<semaphore_mem>>, %arg10: memref<!tpu.dma_semaphore, #tpu.memory_space<semaphore_mem>>) attributes {dimension_semantics = [#tpu.dimension_semantics<core_parallel>, #tpu.dimension_semantics<subcore_parallel>], iteration_bounds = array<i64: 2, 16>, scalar_prefetch = 0 : i64, scratch_operands = 4 : i64, tpu.core_type = #tpu.core_type<sc_vector_subcore>, window_params = [{transform_indices = #map}, {transform_indices = #map}, {transform_indices = #map}, {transform_indices = #map}, {transform_indices = #map}]} {
    %mul3A = arith.constant 2 : i32
    %mul3A_0 = arith.muli %arg1, %mul3A : i32
    %add3A = arith.addi %mul3A_0, %arg0 : i32
    %mul3A_1 = arith.constant 512 : i32
    %mul3A_2 = arith.muli %add3A, %mul3A_1 : i32
    %mul3A_3 = arith.constant 4 : i32
    %mul3A_4 = arith.muli %add3A, %mul3A_3 : i32
    %run_scoped3A = arith.constant 0 : i32
    "tpu.region"() ({
      %run_scoped3A_436 = tpu.sem_alloc : memref<!tpu.dma_semaphore, #tpu.memory_space<semaphore_mem>>
      %dma_start3A_437 = arith.constant 0 : i32
      %dma_start3A_438 = arith.constant 0 : i32
      %dma_start3A_439 = tpu.memref_slice %arg7[%run_scoped3A, %dma_start3A_437, %dma_start3A_438] : memref<2x4x128xi32, #tpu.memory_space<vmem>> -> memref<1x4x128xi32, #tpu.memory_space<vmem>>
      %dma_start3A_440 = tpu.memref_squeeze %dma_start3A_439 : memref<1x4x128xi32, #tpu.memory_space<vmem>> -> memref<4x128xi32, #tpu.memory_space<vmem>>
      %dma_start3A_441 = arith.constant 0 : i32
      %dma_start3A_442 = tpu.memref_slice %arg2[%mul3A_4, %dma_start3A_441] : memref<128x128xi32, #tpu.memory_space<hbm>> -> memref<4x128xi32, #tpu.memory_space<hbm>>
      %dma_start3A_443 = arith.constant 0 : i32
      %dma_start3A_444 = arith.constant 0 : i32
      %dma_start3A_445 = tpu.memref_slice %arg7[%run_scoped3A, %dma_start3A_443, %dma_start3A_444] : memref<2x4x128xi32, #tpu.memory_space<vmem>> -> memref<1x4x128xi32, #tpu.memory_space<vmem>>
      %dma_start3A_446 = tpu.memref_squeeze %dma_start3A_445 : memref<1x4x128xi32, #tpu.memory_space<vmem>> -> memref<4x128xi32, #tpu.memory_space<vmem>>
      %dma_start3A_447 = arith.constant 0 : i32
      %dma_start3A_448 = tpu.memref_slice %arg2[%mul3A_4, %dma_start3A_447] : memref<128x128xi32, #tpu.memory_space<hbm>> -> memref<4x128xi32, #tpu.memory_space<hbm>>
      tpu.enqueue_dma source(%dma_start3A_448 : memref<4x128xi32, #tpu.memory_space<hbm>>) target(%dma_start3A_446 : memref<4x128xi32, #tpu.memory_space<vmem>>) target_semaphore(%run_scoped3A_436 : memref<!tpu.dma_semaphore, #tpu.memory_space<semaphore_mem>>)
      %dma_wait3A_449 = arith.constant 0 : i32
      %dma_wait3A_450 = arith.constant 0 : i32
      %dma_wait3A_451 = tpu.memref_slice %arg7[%run_scoped3A, %dma_wait3A_449, %dma_wait3A_450] : memref<2x4x128xi32, #tpu.memory_space<vmem>> -> memref<1x4x128xi32, #tpu.memory_space<vmem>>
      %dma_wait3A_452 = tpu.memref_squeeze %dma_wait3A_451 : memref<1x4x128xi32, #tpu.memory_space<vmem>> -> memref<4x128xi32, #tpu.memory_space<vmem>>
      %dma_wait3A_453 = arith.constant 0 : i32
      %dma_wait3A_454 = tpu.memref_slice %arg2[%mul3A_4, %dma_wait3A_453] : memref<128x128xi32, #tpu.memory_space<hbm>> -> memref<4x128xi32, #tpu.memory_space<hbm>>
      %dma_wait3A_455 = arith.constant 0 : i32
      %dma_wait3A_456 = arith.constant 0 : i32
      %dma_wait3A_457 = tpu.memref_slice %arg7[%run_scoped3A, %dma_wait3A_455, %dma_wait3A_456] : memref<2x4x128xi32, #tpu.memory_space<vmem>> -> memref<1x4x128xi32, #tpu.memory_space<vmem>>
      %dma_wait3A_458 = tpu.memref_squeeze %dma_wait3A_457 : memref<1x4x128xi32, #tpu.memory_space<vmem>> -> memref<4x128xi32, #tpu.memory_space<vmem>>
      %dma_wait3A_459 = arith.constant 0 : i32
      %dma_wait3A_460 = tpu.memref_slice %arg2[%mul3A_4, %dma_wait3A_459] : memref<128x128xi32, #tpu.memory_space<hbm>> -> memref<4x128xi32, #tpu.memory_space<hbm>>
      tpu.wait_dma2 semaphore(%run_scoped3A_436 : memref<!tpu.dma_semaphore, #tpu.memory_space<semaphore_mem>>) src(%dma_wait3A_460 : memref<4x128xi32, #tpu.memory_space<hbm>>) dst(%dma_wait3A_458 : memref<4x128xi32, #tpu.memory_space<vmem>>)
      tpu.yield
    }) : () -> ()
    %run_scoped3A_5 = arith.constant 1 : i32
    "tpu.region"() ({
      %run_scoped3A_436 = tpu.sem_alloc : memref<!tpu.dma_semaphore, #tpu.memory_space<semaphore_mem>>
      %dma_start3A_437 = arith.constant 0 : i32
      %dma_start3A_438 = arith.constant 0 : i32
      %dma_start3A_439 = tpu.memref_slice %arg7[%run_scoped3A_5, %dma_start3A_437, %dma_start3A_438] : memref<2x4x128xi32, #tpu.memory_space<vmem>> -> memref<1x4x128xi32, #tpu.memory_space<vmem>>
      %dma_start3A_440 = tpu.memref_squeeze %dma_start3A_439 : memref<1x4x128xi32, #tpu.memory_space<vmem>> -> memref<4x128xi32, #tpu.memory_space<vmem>>
      %dma_start3A_441 = arith.constant 0 : i32
      %dma_start3A_442 = tpu.memref_slice %arg3[%mul3A_4, %dma_start3A_441] : memref<128x128xi32, #tpu.memory_space<hbm>> -> memref<4x128xi32, #tpu.memory_space<hbm>>
      %dma_start3A_443 = arith.constant 0 : i32
      %dma_start3A_444 = arith.constant 0 : i32
      %dma_start3A_445 = tpu.memref_slice %arg7[%run_scoped3A_5, %dma_start3A_443, %dma_start3A_444] : memref<2x4x128xi32, #tpu.memory_space<vmem>> -> memref<1x4x128xi32, #tpu.memory_space<vmem>>
      %dma_start3A_446 = tpu.memref_squeeze %dma_start3A_445 : memref<1x4x128xi32, #tpu.memory_space<vmem>> -> memref<4x128xi32, #tpu.memory_space<vmem>>
      %dma_start3A_447 = arith.constant 0 : i32
      %dma_start3A_448 = tpu.memref_slice %arg3[%mul3A_4, %dma_start3A_447] : memref<128x128xi32, #tpu.memory_space<hbm>> -> memref<4x128xi32, #tpu.memory_space<hbm>>
      tpu.enqueue_dma source(%dma_start3A_448 : memref<4x128xi32, #tpu.memory_space<hbm>>) target(%dma_start3A_446 : memref<4x128xi32, #tpu.memory_space<vmem>>) target_semaphore(%run_scoped3A_436 : memref<!tpu.dma_semaphore, #tpu.memory_space<semaphore_mem>>)
      %dma_wait3A_449 = arith.constant 0 : i32
      %dma_wait3A_450 = arith.constant 0 : i32
      %dma_wait3A_451 = tpu.memref_slice %arg7[%run_scoped3A_5, %dma_wait3A_449, %dma_wait3A_450] : memref<2x4x128xi32, #tpu.memory_space<vmem>> -> memref<1x4x128xi32, #tpu.memory_space<vmem>>
      %dma_wait3A_452 = tpu.memref_squeeze %dma_wait3A_451 : memref<1x4x128xi32, #tpu.memory_space<vmem>> -> memref<4x128xi32, #tpu.memory_space<vmem>>
      %dma_wait3A_453 = arith.constant 0 : i32
      %dma_wait3A_454 = tpu.memref_slice %arg3[%mul3A_4, %dma_wait3A_453] : memref<128x128xi32, #tpu.memory_space<hbm>> -> memref<4x128xi32, #tpu.memory_space<hbm>>
      %dma_wait3A_455 = arith.constant 0 : i32
      %dma_wait3A_456 = arith.constant 0 : i32
      %dma_wait3A_457 = tpu.memref_slice %arg7[%run_scoped3A_5, %dma_wait3A_455, %dma_wait3A_456] : memref<2x4x128xi32, #tpu.memory_space<vmem>> -> memref<1x4x128xi32, #tpu.memory_space<vmem>>
      %dma_wait3A_458 = tpu.memref_squeeze %dma_wait3A_457 : memref<1x4x128xi32, #tpu.memory_space<vmem>> -> memref<4x128xi32, #tpu.memory_space<vmem>>
      %dma_wait3A_459 = arith.constant 0 : i32
      %dma_wait3A_460 = tpu.memref_slice %arg3[%mul3A_4, %dma_wait3A_459] : memref<128x128xi32, #tpu.memory_space<hbm>> -> memref<4x128xi32, #tpu.memory_space<hbm>>
      tpu.wait_dma2 semaphore(%run_scoped3A_436 : memref<!tpu.dma_semaphore, #tpu.memory_space<semaphore_mem>>) src(%dma_wait3A_460 : memref<4x128xi32, #tpu.memory_space<hbm>>) dst(%dma_wait3A_458 : memref<4x128xi32, #tpu.memory_space<vmem>>)
      tpu.yield
    }) : () -> ()
    %dma_start3A = arith.constant 0 : i32
    %dma_start3A_6 = arith.constant 0 : i32
    %dma_start3A_7 = arith.constant 0 : i32
    %dma_start3A_8 = arith.constant 0 : i32
    %dma_start3A_9 = arith.constant 0 : i32
    %dma_start3A_10 = tpu.memref_slice %arg8[%dma_start3A_7, %dma_start3A_8, %dma_start3A_9] : memref<3x256x128xf32, #tpu.memory_space<vmem>> -> memref<1x256x128xf32, #tpu.memory_space<vmem>>
    %dma_start3A_11 = tpu.memref_squeeze %dma_start3A_10 : memref<1x256x128xf32, #tpu.memory_space<vmem>> -> memref<256x128xf32, #tpu.memory_space<vmem>>
    %dma_start3A_12 = arith.constant 0 : i32
    %dma_start3A_13 = arith.constant 0 : i32
    %dma_start3A_14 = tpu.memref_slice %dma_start3A_11[%dma_start3A_12, %dma_start3A_13] : memref<256x128xf32, #tpu.memory_space<vmem>> -> memref<128x128xf32, #tpu.memory_space<vmem>>
    %dma_start3A_15 = arith.constant 0 : i32
    %dma_start3A_16 = arith.constant 0 : i32
    %dma_start3A_17 = tpu.memref_slice %arg7[%dma_start3A, %dma_start3A_15, %dma_start3A_16] : memref<2x4x128xi32, #tpu.memory_space<vmem>> -> memref<1x4x128xi32, #tpu.memory_space<vmem>>
    %dma_start3A_18 = tpu.memref_squeeze %dma_start3A_17 : memref<1x4x128xi32, #tpu.memory_space<vmem>> -> memref<4x128xi32, #tpu.memory_space<vmem>>
    %dma_start3A_19 = arith.constant 0 : i32
    %dma_start3A_20 = tpu.memref_slice %dma_start3A_18[%dma_start3A_6, %dma_start3A_19] : memref<4x128xi32, #tpu.memory_space<vmem>> -> memref<1x128xi32, #tpu.memory_space<vmem>>
    %dma_start3A_21 = tpu.memref_squeeze %dma_start3A_20 : memref<1x128xi32, #tpu.memory_space<vmem>> -> memref<128xi32, #tpu.memory_space<vmem>>
    %dma_start3A_22 = arith.constant 0 : i32
    %dma_start3A_23 = arith.constant 0 : i32
    %dma_start3A_24 = tpu.memref_slice %arg4[%dma_start3A_22, %dma_start3A_23] : memref<1000000x128xf32, #tpu.memory_space<hbm>> -> memref<1000000x128xf32, #tpu.memory_space<hbm>>
    tpu.enqueue_indirect_dma source(%dma_start3A_24 : memref<1000000x128xf32, #tpu.memory_space<hbm>>) target(%dma_start3A_14 : memref<128x128xf32, #tpu.memory_space<vmem>>) offsets(%dma_start3A_21 : memref<128xi32, #tpu.memory_space<vmem>>) semaphore(%arg9 : memref<!tpu.dma_semaphore, #tpu.memory_space<semaphore_mem>>)
    %dma_start3A_25 = arith.constant 0 : i32
    %dma_start3A_26 = arith.constant 1 : i32
    %dma_start3A_27 = arith.constant 0 : i32
    %dma_start3A_28 = arith.constant 0 : i32
    %dma_start3A_29 = arith.constant 0 : i32
    %dma_start3A_30 = tpu.memref_slice %arg8[%dma_start3A_27, %dma_start3A_28, %dma_start3A_29] : memref<3x256x128xf32, #tpu.memory_space<vmem>> -> memref<1x256x128xf32, #tpu.memory_space<vmem>>
    %dma_start3A_31 = tpu.memref_squeeze %dma_start3A_30 : memref<1x256x128xf32, #tpu.memory_space<vmem>> -> memref<256x128xf32, #tpu.memory_space<vmem>>
    %dma_start3A_32 = arith.constant 128 : i32
    %dma_start3A_33 = arith.constant 0 : i32
    %dma_start3A_34 = tpu.memref_slice %dma_start3A_31[%dma_start3A_32, %dma_start3A_33] : memref<256x128xf32, #tpu.memory_space<vmem>> -> memref<128x128xf32, #tpu.memory_space<vmem>>
    %dma_start3A_35 = arith.constant 0 : i32
    %dma_start3A_36 = arith.constant 0 : i32
    %dma_start3A_37 = tpu.memref_slice %arg7[%dma_start3A_25, %dma_start3A_35, %dma_start3A_36] : memref<2x4x128xi32, #tpu.memory_space<vmem>> -> memref<1x4x128xi32, #tpu.memory_space<vmem>>
    %dma_start3A_38 = tpu.memref_squeeze %dma_start3A_37 : memref<1x4x128xi32, #tpu.memory_space<vmem>> -> memref<4x128xi32, #tpu.memory_space<vmem>>
    %dma_start3A_39 = arith.constant 0 : i32
    %dma_start3A_40 = tpu.memref_slice %dma_start3A_38[%dma_start3A_26, %dma_start3A_39] : memref<4x128xi32, #tpu.memory_space<vmem>> -> memref<1x128xi32, #tpu.memory_space<vmem>>
    %dma_start3A_41 = tpu.memref_squeeze %dma_start3A_40 : memref<1x128xi32, #tpu.memory_space<vmem>> -> memref<128xi32, #tpu.memory_space<vmem>>
    %dma_start3A_42 = arith.constant 0 : i32
    %dma_start3A_43 = arith.constant 0 : i32
    %dma_start3A_44 = tpu.memref_slice %arg4[%dma_start3A_42, %dma_start3A_43] : memref<1000000x128xf32, #tpu.memory_space<hbm>> -> memref<1000000x128xf32, #tpu.memory_space<hbm>>
    tpu.enqueue_indirect_dma source(%dma_start3A_44 : memref<1000000x128xf32, #tpu.memory_space<hbm>>) target(%dma_start3A_34 : memref<128x128xf32, #tpu.memory_space<vmem>>) offsets(%dma_start3A_41 : memref<128xi32, #tpu.memory_space<vmem>>) semaphore(%arg9 : memref<!tpu.dma_semaphore, #tpu.memory_space<semaphore_mem>>)
    %dma_start3A_45 = arith.constant 0 : i32
    %dma_start3A_46 = arith.constant 2 : i32
    %dma_start3A_47 = arith.constant 1 : i32
    %dma_start3A_48 = arith.constant 0 : i32
    %dma_start3A_49 = arith.constant 0 : i32
    %dma_start3A_50 = tpu.memref_slice %arg8[%dma_start3A_47, %dma_start3A_48, %dma_start3A_49] : memref<3x256x128xf32, #tpu.memory_space<vmem>> -> memref<1x256x128xf32, #tpu.memory_space<vmem>>
    %dma_start3A_51 = tpu.memref_squeeze %dma_start3A_50 : memref<1x256x128xf32, #tpu.memory_space<vmem>> -> memref<256x128xf32, #tpu.memory_space<vmem>>
    %dma_start3A_52 = arith.constant 0 : i32
    %dma_start3A_53 = arith.constant 0 : i32
    %dma_start3A_54 = tpu.memref_slice %dma_start3A_51[%dma_start3A_52, %dma_start3A_53] : memref<256x128xf32, #tpu.memory_space<vmem>> -> memref<128x128xf32, #tpu.memory_space<vmem>>
    %dma_start3A_55 = arith.constant 0 : i32
    %dma_start3A_56 = arith.constant 0 : i32
    %dma_start3A_57 = tpu.memref_slice %arg7[%dma_start3A_45, %dma_start3A_55, %dma_start3A_56] : memref<2x4x128xi32, #tpu.memory_space<vmem>> -> memref<1x4x128xi32, #tpu.memory_space<vmem>>
    %dma_start3A_58 = tpu.memref_squeeze %dma_start3A_57 : memref<1x4x128xi32, #tpu.memory_space<vmem>> -> memref<4x128xi32, #tpu.memory_space<vmem>>
    %dma_start3A_59 = arith.constant 0 : i32
    %dma_start3A_60 = tpu.memref_slice %dma_start3A_58[%dma_start3A_46, %dma_start3A_59] : memref<4x128xi32, #tpu.memory_space<vmem>> -> memref<1x128xi32, #tpu.memory_space<vmem>>
    %dma_start3A_61 = tpu.memref_squeeze %dma_start3A_60 : memref<1x128xi32, #tpu.memory_space<vmem>> -> memref<128xi32, #tpu.memory_space<vmem>>
    %dma_start3A_62 = arith.constant 0 : i32
    %dma_start3A_63 = arith.constant 0 : i32
    %dma_start3A_64 = tpu.memref_slice %arg4[%dma_start3A_62, %dma_start3A_63] : memref<1000000x128xf32, #tpu.memory_space<hbm>> -> memref<1000000x128xf32, #tpu.memory_space<hbm>>
    tpu.enqueue_indirect_dma source(%dma_start3A_64 : memref<1000000x128xf32, #tpu.memory_space<hbm>>) target(%dma_start3A_54 : memref<128x128xf32, #tpu.memory_space<vmem>>) offsets(%dma_start3A_61 : memref<128xi32, #tpu.memory_space<vmem>>) semaphore(%arg9 : memref<!tpu.dma_semaphore, #tpu.memory_space<semaphore_mem>>)
    %dma_start3A_65 = arith.constant 0 : i32
    %dma_start3A_66 = arith.constant 3 : i32
    %dma_start3A_67 = arith.constant 1 : i32
    %dma_start3A_68 = arith.constant 0 : i32
    %dma_start3A_69 = arith.constant 0 : i32
    %dma_start3A_70 = tpu.memref_slice %arg8[%dma_start3A_67, %dma_start3A_68, %dma_start3A_69] : memref<3x256x128xf32, #tpu.memory_space<vmem>> -> memref<1x256x128xf32, #tpu.memory_space<vmem>>
    %dma_start3A_71 = tpu.memref_squeeze %dma_start3A_70 : memref<1x256x128xf32, #tpu.memory_space<vmem>> -> memref<256x128xf32, #tpu.memory_space<vmem>>
    %dma_start3A_72 = arith.constant 128 : i32
    %dma_start3A_73 = arith.constant 0 : i32
    %dma_start3A_74 = tpu.memref_slice %dma_start3A_71[%dma_start3A_72, %dma_start3A_73] : memref<256x128xf32, #tpu.memory_space<vmem>> -> memref<128x128xf32, #tpu.memory_space<vmem>>
    %dma_start3A_75 = arith.constant 0 : i32
    %dma_start3A_76 = arith.constant 0 : i32
    %dma_start3A_77 = tpu.memref_slice %arg7[%dma_start3A_65, %dma_start3A_75, %dma_start3A_76] : memref<2x4x128xi32, #tpu.memory_space<vmem>> -> memref<1x4x128xi32, #tpu.memory_space<vmem>>
    %dma_start3A_78 = tpu.memref_squeeze %dma_start3A_77 : memref<1x4x128xi32, #tpu.memory_space<vmem>> -> memref<4x128xi32, #tpu.memory_space<vmem>>
    %dma_start3A_79 = arith.constant 0 : i32
    %dma_start3A_80 = tpu.memref_slice %dma_start3A_78[%dma_start3A_66, %dma_start3A_79] : memref<4x128xi32, #tpu.memory_space<vmem>> -> memref<1x128xi32, #tpu.memory_space<vmem>>
    %dma_start3A_81 = tpu.memref_squeeze %dma_start3A_80 : memref<1x128xi32, #tpu.memory_space<vmem>> -> memref<128xi32, #tpu.memory_space<vmem>>
    %dma_start3A_82 = arith.constant 0 : i32
    %dma_start3A_83 = arith.constant 0 : i32
    %dma_start3A_84 = tpu.memref_slice %arg4[%dma_start3A_82, %dma_start3A_83] : memref<1000000x128xf32, #tpu.memory_space<hbm>> -> memref<1000000x128xf32, #tpu.memory_space<hbm>>
    tpu.enqueue_indirect_dma source(%dma_start3A_84 : memref<1000000x128xf32, #tpu.memory_space<hbm>>) target(%dma_start3A_74 : memref<128x128xf32, #tpu.memory_space<vmem>>) offsets(%dma_start3A_81 : memref<128xi32, #tpu.memory_space<vmem>>) semaphore(%arg9 : memref<!tpu.dma_semaphore, #tpu.memory_space<semaphore_mem>>)
    %dma_start3A_85 = arith.constant 1 : i32
    %dma_start3A_86 = arith.constant 0 : i32
    %dma_start3A_87 = arith.constant 2 : i32
    %dma_start3A_88 = arith.constant 0 : i32
    %dma_start3A_89 = arith.constant 0 : i32
    %dma_start3A_90 = tpu.memref_slice %arg8[%dma_start3A_87, %dma_start3A_88, %dma_start3A_89] : memref<3x256x128xf32, #tpu.memory_space<vmem>> -> memref<1x256x128xf32, #tpu.memory_space<vmem>>
    %dma_start3A_91 = tpu.memref_squeeze %dma_start3A_90 : memref<1x256x128xf32, #tpu.memory_space<vmem>> -> memref<256x128xf32, #tpu.memory_space<vmem>>
    %dma_start3A_92 = arith.constant 0 : i32
    %dma_start3A_93 = arith.constant 0 : i32
    %dma_start3A_94 = tpu.memref_slice %dma_start3A_91[%dma_start3A_92, %dma_start3A_93] : memref<256x128xf32, #tpu.memory_space<vmem>> -> memref<128x128xf32, #tpu.memory_space<vmem>>
    %dma_start3A_95 = arith.constant 0 : i32
    %dma_start3A_96 = arith.constant 0 : i32
    %dma_start3A_97 = tpu.memref_slice %arg7[%dma_start3A_85, %dma_start3A_95, %dma_start3A_96] : memref<2x4x128xi32, #tpu.memory_space<vmem>> -> memref<1x4x128xi32, #tpu.memory_space<vmem>>
    %dma_start3A_98 = tpu.memref_squeeze %dma_start3A_97 : memref<1x4x128xi32, #tpu.memory_space<vmem>> -> memref<4x128xi32, #tpu.memory_space<vmem>>
    %dma_start3A_99 = arith.constant 0 : i32
    %dma_start3A_100 = tpu.memref_slice %dma_start3A_98[%dma_start3A_86, %dma_start3A_99] : memref<4x128xi32, #tpu.memory_space<vmem>> -> memref<1x128xi32, #tpu.memory_space<vmem>>
    %dma_start3A_101 = tpu.memref_squeeze %dma_start3A_100 : memref<1x128xi32, #tpu.memory_space<vmem>> -> memref<128xi32, #tpu.memory_space<vmem>>
    %dma_start3A_102 = arith.constant 0 : i32
    %dma_start3A_103 = arith.constant 0 : i32
    %dma_start3A_104 = tpu.memref_slice %arg4[%dma_start3A_102, %dma_start3A_103] : memref<1000000x128xf32, #tpu.memory_space<hbm>> -> memref<1000000x128xf32, #tpu.memory_space<hbm>>
    tpu.enqueue_indirect_dma source(%dma_start3A_104 : memref<1000000x128xf32, #tpu.memory_space<hbm>>) target(%dma_start3A_94 : memref<128x128xf32, #tpu.memory_space<vmem>>) offsets(%dma_start3A_101 : memref<128xi32, #tpu.memory_space<vmem>>) semaphore(%arg9 : memref<!tpu.dma_semaphore, #tpu.memory_space<semaphore_mem>>)
    %dma_start3A_105 = arith.constant 1 : i32
    %dma_start3A_106 = arith.constant 1 : i32
    %dma_start3A_107 = arith.constant 2 : i32
    %dma_start3A_108 = arith.constant 0 : i32
    %dma_start3A_109 = arith.constant 0 : i32
    %dma_start3A_110 = tpu.memref_slice %arg8[%dma_start3A_107, %dma_start3A_108, %dma_start3A_109] : memref<3x256x128xf32, #tpu.memory_space<vmem>> -> memref<1x256x128xf32, #tpu.memory_space<vmem>>
    %dma_start3A_111 = tpu.memref_squeeze %dma_start3A_110 : memref<1x256x128xf32, #tpu.memory_space<vmem>> -> memref<256x128xf32, #tpu.memory_space<vmem>>
    %dma_start3A_112 = arith.constant 128 : i32
    %dma_start3A_113 = arith.constant 0 : i32
    %dma_start3A_114 = tpu.memref_slice %dma_start3A_111[%dma_start3A_112, %dma_start3A_113] : memref<256x128xf32, #tpu.memory_space<vmem>> -> memref<128x128xf32, #tpu.memory_space<vmem>>
    %dma_start3A_115 = arith.constant 0 : i32
    %dma_start3A_116 = arith.constant 0 : i32
    %dma_start3A_117 = tpu.memref_slice %arg7[%dma_start3A_105, %dma_start3A_115, %dma_start3A_116] : memref<2x4x128xi32, #tpu.memory_space<vmem>> -> memref<1x4x128xi32, #tpu.memory_space<vmem>>
    %dma_start3A_118 = tpu.memref_squeeze %dma_start3A_117 : memref<1x4x128xi32, #tpu.memory_space<vmem>> -> memref<4x128xi32, #tpu.memory_space<vmem>>
    %dma_start3A_119 = arith.constant 0 : i32
    %dma_start3A_120 = tpu.memref_slice %dma_start3A_118[%dma_start3A_106, %dma_start3A_119] : memref<4x128xi32, #tpu.memory_space<vmem>> -> memref<1x128xi32, #tpu.memory_space<vmem>>
    %dma_start3A_121 = tpu.memref_squeeze %dma_start3A_120 : memref<1x128xi32, #tpu.memory_space<vmem>> -> memref<128xi32, #tpu.memory_space<vmem>>
    %dma_start3A_122 = arith.constant 0 : i32
    %dma_start3A_123 = arith.constant 0 : i32
    %dma_start3A_124 = tpu.memref_slice %arg4[%dma_start3A_122, %dma_start3A_123] : memref<1000000x128xf32, #tpu.memory_space<hbm>> -> memref<1000000x128xf32, #tpu.memory_space<hbm>>
    tpu.enqueue_indirect_dma source(%dma_start3A_124 : memref<1000000x128xf32, #tpu.memory_space<hbm>>) target(%dma_start3A_114 : memref<128x128xf32, #tpu.memory_space<vmem>>) offsets(%dma_start3A_121 : memref<128xi32, #tpu.memory_space<vmem>>) semaphore(%arg9 : memref<!tpu.dma_semaphore, #tpu.memory_space<semaphore_mem>>)
    %dma_wait3A = arith.constant 0 : i32
    %dma_wait3A_125 = arith.constant 0 : i32
    %dma_wait3A_126 = arith.constant 0 : i32
    %dma_wait3A_127 = arith.constant 0 : i32
    %dma_wait3A_128 = arith.constant 0 : i32
    %dma_wait3A_129 = tpu.memref_slice %arg8[%dma_wait3A_126, %dma_wait3A_127, %dma_wait3A_128] : memref<3x256x128xf32, #tpu.memory_space<vmem>> -> memref<1x256x128xf32, #tpu.memory_space<vmem>>
    %dma_wait3A_130 = tpu.memref_squeeze %dma_wait3A_129 : memref<1x256x128xf32, #tpu.memory_space<vmem>> -> memref<256x128xf32, #tpu.memory_space<vmem>>
    %dma_wait3A_131 = arith.constant 0 : i32
    %dma_wait3A_132 = arith.constant 0 : i32
    %dma_wait3A_133 = tpu.memref_slice %dma_wait3A_130[%dma_wait3A_131, %dma_wait3A_132] : memref<256x128xf32, #tpu.memory_space<vmem>> -> memref<128x128xf32, #tpu.memory_space<vmem>>
    %dma_wait3A_134 = arith.constant 0 : i32
    %dma_wait3A_135 = arith.constant 0 : i32
    %dma_wait3A_136 = tpu.memref_slice %arg7[%dma_wait3A, %dma_wait3A_134, %dma_wait3A_135] : memref<2x4x128xi32, #tpu.memory_space<vmem>> -> memref<1x4x128xi32, #tpu.memory_space<vmem>>
    %dma_wait3A_137 = tpu.memref_squeeze %dma_wait3A_136 : memref<1x4x128xi32, #tpu.memory_space<vmem>> -> memref<4x128xi32, #tpu.memory_space<vmem>>
    %dma_wait3A_138 = arith.constant 0 : i32
    %dma_wait3A_139 = tpu.memref_slice %dma_wait3A_137[%dma_wait3A_125, %dma_wait3A_138] : memref<4x128xi32, #tpu.memory_space<vmem>> -> memref<1x128xi32, #tpu.memory_space<vmem>>
    %dma_wait3A_140 = tpu.memref_squeeze %dma_wait3A_139 : memref<1x128xi32, #tpu.memory_space<vmem>> -> memref<128xi32, #tpu.memory_space<vmem>>
    %dma_wait3A_141 = arith.constant 0 : i32
    %dma_wait3A_142 = arith.constant 0 : i32
    %dma_wait3A_143 = tpu.memref_slice %arg4[%dma_wait3A_141, %dma_wait3A_142] : memref<1000000x128xf32, #tpu.memory_space<hbm>> -> memref<1000000x128xf32, #tpu.memory_space<hbm>>
    tpu.wait_indirect_dma semaphore(%arg9 : memref<!tpu.dma_semaphore, #tpu.memory_space<semaphore_mem>>) src(%dma_wait3A_143 : memref<1000000x128xf32, #tpu.memory_space<hbm>>) dst(%dma_wait3A_133 : memref<128x128xf32, #tpu.memory_space<vmem>>)
    %dma_wait3A_144 = arith.constant 0 : i32
    %dma_wait3A_145 = arith.constant 1 : i32
    %dma_wait3A_146 = arith.constant 0 : i32
    %dma_wait3A_147 = arith.constant 0 : i32
    %dma_wait3A_148 = arith.constant 0 : i32
    %dma_wait3A_149 = tpu.memref_slice %arg8[%dma_wait3A_146, %dma_wait3A_147, %dma_wait3A_148] : memref<3x256x128xf32, #tpu.memory_space<vmem>> -> memref<1x256x128xf32, #tpu.memory_space<vmem>>
    %dma_wait3A_150 = tpu.memref_squeeze %dma_wait3A_149 : memref<1x256x128xf32, #tpu.memory_space<vmem>> -> memref<256x128xf32, #tpu.memory_space<vmem>>
    %dma_wait3A_151 = arith.constant 128 : i32
    %dma_wait3A_152 = arith.constant 0 : i32
    %dma_wait3A_153 = tpu.memref_slice %dma_wait3A_150[%dma_wait3A_151, %dma_wait3A_152] : memref<256x128xf32, #tpu.memory_space<vmem>> -> memref<128x128xf32, #tpu.memory_space<vmem>>
    %dma_wait3A_154 = arith.constant 0 : i32
    %dma_wait3A_155 = arith.constant 0 : i32
    %dma_wait3A_156 = tpu.memref_slice %arg7[%dma_wait3A_144, %dma_wait3A_154, %dma_wait3A_155] : memref<2x4x128xi32, #tpu.memory_space<vmem>> -> memref<1x4x128xi32, #tpu.memory_space<vmem>>
    %dma_wait3A_157 = tpu.memref_squeeze %dma_wait3A_156 : memref<1x4x128xi32, #tpu.memory_space<vmem>> -> memref<4x128xi32, #tpu.memory_space<vmem>>
    %dma_wait3A_158 = arith.constant 0 : i32
    %dma_wait3A_159 = tpu.memref_slice %dma_wait3A_157[%dma_wait3A_145, %dma_wait3A_158] : memref<4x128xi32, #tpu.memory_space<vmem>> -> memref<1x128xi32, #tpu.memory_space<vmem>>
    %dma_wait3A_160 = tpu.memref_squeeze %dma_wait3A_159 : memref<1x128xi32, #tpu.memory_space<vmem>> -> memref<128xi32, #tpu.memory_space<vmem>>
    %dma_wait3A_161 = arith.constant 0 : i32
    %dma_wait3A_162 = arith.constant 0 : i32
    %dma_wait3A_163 = tpu.memref_slice %arg4[%dma_wait3A_161, %dma_wait3A_162] : memref<1000000x128xf32, #tpu.memory_space<hbm>> -> memref<1000000x128xf32, #tpu.memory_space<hbm>>
    tpu.wait_indirect_dma semaphore(%arg9 : memref<!tpu.dma_semaphore, #tpu.memory_space<semaphore_mem>>) src(%dma_wait3A_163 : memref<1000000x128xf32, #tpu.memory_space<hbm>>) dst(%dma_wait3A_153 : memref<128x128xf32, #tpu.memory_space<vmem>>)
    %add3A_164 = arith.constant 0 : i32
    %add3A_165 = arith.addi %mul3A_2, %add3A_164 : i32
    %dma_start3A_166 = arith.constant 0 : i32
    %dma_start3A_167 = arith.constant 0 : i32
    %dma_start3A_168 = arith.constant 0 : i32
    %dma_start3A_169 = tpu.memref_slice %arg8[%dma_start3A_166, %dma_start3A_167, %dma_start3A_168] : memref<3x256x128xf32, #tpu.memory_space<vmem>> -> memref<1x256x128xf32, #tpu.memory_space<vmem>>
    %dma_start3A_170 = tpu.memref_squeeze %dma_start3A_169 : memref<1x256x128xf32, #tpu.memory_space<vmem>> -> memref<256x128xf32, #tpu.memory_space<vmem>>
    %dma_start3A_171 = arith.constant 0 : i32
    %dma_start3A_172 = tpu.memref_slice %arg5[%add3A_165, %dma_start3A_171] : memref<16384x128xf32, #tpu.memory_space<hbm>> -> memref<256x128xf32, #tpu.memory_space<hbm>>
    %dma_start3A_173 = arith.constant 0 : i32
    %dma_start3A_174 = tpu.memref_slice %arg5[%add3A_165, %dma_start3A_173] : memref<16384x128xf32, #tpu.memory_space<hbm>> -> memref<256x128xf32, #tpu.memory_space<hbm>>
    %dma_start3A_175 = arith.constant 0 : i32
    %dma_start3A_176 = arith.constant 0 : i32
    %dma_start3A_177 = tpu.memref_slice %arg8[%dma_start3A_166, %dma_start3A_175, %dma_start3A_176] : memref<3x256x128xf32, #tpu.memory_space<vmem>> -> memref<1x256x128xf32, #tpu.memory_space<vmem>>
    %dma_start3A_178 = tpu.memref_squeeze %dma_start3A_177 : memref<1x256x128xf32, #tpu.memory_space<vmem>> -> memref<256x128xf32, #tpu.memory_space<vmem>>
    tpu.enqueue_dma source(%dma_start3A_178 : memref<256x128xf32, #tpu.memory_space<vmem>>) target(%dma_start3A_174 : memref<256x128xf32, #tpu.memory_space<hbm>>) target_semaphore(%arg10 : memref<!tpu.dma_semaphore, #tpu.memory_space<semaphore_mem>>)
    %dma_wait3A_179 = arith.constant 0 : i32
    %dma_wait3A_180 = arith.constant 0 : i32
    %dma_wait3A_181 = arith.constant 0 : i32
    %dma_wait3A_182 = tpu.memref_slice %arg8[%dma_wait3A_179, %dma_wait3A_180, %dma_wait3A_181] : memref<3x256x128xf32, #tpu.memory_space<vmem>> -> memref<1x256x128xf32, #tpu.memory_space<vmem>>
    %dma_wait3A_183 = tpu.memref_squeeze %dma_wait3A_182 : memref<1x256x128xf32, #tpu.memory_space<vmem>> -> memref<256x128xf32, #tpu.memory_space<vmem>>
    %dma_wait3A_184 = arith.constant 0 : i32
    %dma_wait3A_185 = tpu.memref_slice %arg5[%add3A_165, %dma_wait3A_184] : memref<16384x128xf32, #tpu.memory_space<hbm>> -> memref<256x128xf32, #tpu.memory_space<hbm>>
    %dma_wait3A_186 = arith.constant 0 : i32
    %dma_wait3A_187 = tpu.memref_slice %arg5[%add3A_165, %dma_wait3A_186] : memref<16384x128xf32, #tpu.memory_space<hbm>> -> memref<256x128xf32, #tpu.memory_space<hbm>>
    %dma_wait3A_188 = arith.constant 0 : i32
    %dma_wait3A_189 = arith.constant 0 : i32
    %dma_wait3A_190 = tpu.memref_slice %arg8[%dma_wait3A_179, %dma_wait3A_188, %dma_wait3A_189] : memref<3x256x128xf32, #tpu.memory_space<vmem>> -> memref<1x256x128xf32, #tpu.memory_space<vmem>>
    %dma_wait3A_191 = tpu.memref_squeeze %dma_wait3A_190 : memref<1x256x128xf32, #tpu.memory_space<vmem>> -> memref<256x128xf32, #tpu.memory_space<vmem>>
    tpu.wait_dma2 semaphore(%arg10 : memref<!tpu.dma_semaphore, #tpu.memory_space<semaphore_mem>>) src(%dma_wait3A_191 : memref<256x128xf32, #tpu.memory_space<vmem>>) dst(%dma_wait3A_187 : memref<256x128xf32, #tpu.memory_space<hbm>>)
    %dma_start3A_192 = arith.constant 1 : i32
    %dma_start3A_193 = arith.constant 2 : i32
    %dma_start3A_194 = arith.constant 0 : i32
    %dma_start3A_195 = arith.constant 0 : i32
    %dma_start3A_196 = arith.constant 0 : i32
    %dma_start3A_197 = tpu.memref_slice %arg8[%dma_start3A_194, %dma_start3A_195, %dma_start3A_196] : memref<3x256x128xf32, #tpu.memory_space<vmem>> -> memref<1x256x128xf32, #tpu.memory_space<vmem>>
    %dma_start3A_198 = tpu.memref_squeeze %dma_start3A_197 : memref<1x256x128xf32, #tpu.memory_space<vmem>> -> memref<256x128xf32, #tpu.memory_space<vmem>>
    %dma_start3A_199 = arith.constant 0 : i32
    %dma_start3A_200 = arith.constant 0 : i32
    %dma_start3A_201 = tpu.memref_slice %dma_start3A_198[%dma_start3A_199, %dma_start3A_200] : memref<256x128xf32, #tpu.memory_space<vmem>> -> memref<128x128xf32, #tpu.memory_space<vmem>>
    %dma_start3A_202 = arith.constant 0 : i32
    %dma_start3A_203 = arith.constant 0 : i32
    %dma_start3A_204 = tpu.memref_slice %arg7[%dma_start3A_192, %dma_start3A_202, %dma_start3A_203] : memref<2x4x128xi32, #tpu.memory_space<vmem>> -> memref<1x4x128xi32, #tpu.memory_space<vmem>>
    %dma_start3A_205 = tpu.memref_squeeze %dma_start3A_204 : memref<1x4x128xi32, #tpu.memory_space<vmem>> -> memref<4x128xi32, #tpu.memory_space<vmem>>
    %dma_start3A_206 = arith.constant 0 : i32
    %dma_start3A_207 = tpu.memref_slice %dma_start3A_205[%dma_start3A_193, %dma_start3A_206] : memref<4x128xi32, #tpu.memory_space<vmem>> -> memref<1x128xi32, #tpu.memory_space<vmem>>
    %dma_start3A_208 = tpu.memref_squeeze %dma_start3A_207 : memref<1x128xi32, #tpu.memory_space<vmem>> -> memref<128xi32, #tpu.memory_space<vmem>>
    %dma_start3A_209 = arith.constant 0 : i32
    %dma_start3A_210 = arith.constant 0 : i32
    %dma_start3A_211 = tpu.memref_slice %arg4[%dma_start3A_209, %dma_start3A_210] : memref<1000000x128xf32, #tpu.memory_space<hbm>> -> memref<1000000x128xf32, #tpu.memory_space<hbm>>
    tpu.enqueue_indirect_dma source(%dma_start3A_211 : memref<1000000x128xf32, #tpu.memory_space<hbm>>) target(%dma_start3A_201 : memref<128x128xf32, #tpu.memory_space<vmem>>) offsets(%dma_start3A_208 : memref<128xi32, #tpu.memory_space<vmem>>) semaphore(%arg9 : memref<!tpu.dma_semaphore, #tpu.memory_space<semaphore_mem>>)
    %dma_start3A_212 = arith.constant 1 : i32
    %dma_start3A_213 = arith.constant 3 : i32
    %dma_start3A_214 = arith.constant 0 : i32
    %dma_start3A_215 = arith.constant 0 : i32
    %dma_start3A_216 = arith.constant 0 : i32
    %dma_start3A_217 = tpu.memref_slice %arg8[%dma_start3A_214, %dma_start3A_215, %dma_start3A_216] : memref<3x256x128xf32, #tpu.memory_space<vmem>> -> memref<1x256x128xf32, #tpu.memory_space<vmem>>
    %dma_start3A_218 = tpu.memref_squeeze %dma_start3A_217 : memref<1x256x128xf32, #tpu.memory_space<vmem>> -> memref<256x128xf32, #tpu.memory_space<vmem>>
    %dma_start3A_219 = arith.constant 128 : i32
    %dma_start3A_220 = arith.constant 0 : i32
    %dma_start3A_221 = tpu.memref_slice %dma_start3A_218[%dma_start3A_219, %dma_start3A_220] : memref<256x128xf32, #tpu.memory_space<vmem>> -> memref<128x128xf32, #tpu.memory_space<vmem>>
    %dma_start3A_222 = arith.constant 0 : i32
    %dma_start3A_223 = arith.constant 0 : i32
    %dma_start3A_224 = tpu.memref_slice %arg7[%dma_start3A_212, %dma_start3A_222, %dma_start3A_223] : memref<2x4x128xi32, #tpu.memory_space<vmem>> -> memref<1x4x128xi32, #tpu.memory_space<vmem>>
    %dma_start3A_225 = tpu.memref_squeeze %dma_start3A_224 : memref<1x4x128xi32, #tpu.memory_space<vmem>> -> memref<4x128xi32, #tpu.memory_space<vmem>>
    %dma_start3A_226 = arith.constant 0 : i32
    %dma_start3A_227 = tpu.memref_slice %dma_start3A_225[%dma_start3A_213, %dma_start3A_226] : memref<4x128xi32, #tpu.memory_space<vmem>> -> memref<1x128xi32, #tpu.memory_space<vmem>>
    %dma_start3A_228 = tpu.memref_squeeze %dma_start3A_227 : memref<1x128xi32, #tpu.memory_space<vmem>> -> memref<128xi32, #tpu.memory_space<vmem>>
    %dma_start3A_229 = arith.constant 0 : i32
    %dma_start3A_230 = arith.constant 0 : i32
    %dma_start3A_231 = tpu.memref_slice %arg4[%dma_start3A_229, %dma_start3A_230] : memref<1000000x128xf32, #tpu.memory_space<hbm>> -> memref<1000000x128xf32, #tpu.memory_space<hbm>>
    tpu.enqueue_indirect_dma source(%dma_start3A_231 : memref<1000000x128xf32, #tpu.memory_space<hbm>>) target(%dma_start3A_221 : memref<128x128xf32, #tpu.memory_space<vmem>>) offsets(%dma_start3A_228 : memref<128xi32, #tpu.memory_space<vmem>>) semaphore(%arg9 : memref<!tpu.dma_semaphore, #tpu.memory_space<semaphore_mem>>)
    %dma_wait3A_232 = arith.constant 0 : i32
    %dma_wait3A_233 = arith.constant 2 : i32
    %dma_wait3A_234 = arith.constant 1 : i32
    %dma_wait3A_235 = arith.constant 0 : i32
    %dma_wait3A_236 = arith.constant 0 : i32
    %dma_wait3A_237 = tpu.memref_slice %arg8[%dma_wait3A_234, %dma_wait3A_235, %dma_wait3A_236] : memref<3x256x128xf32, #tpu.memory_space<vmem>> -> memref<1x256x128xf32, #tpu.memory_space<vmem>>
    %dma_wait3A_238 = tpu.memref_squeeze %dma_wait3A_237 : memref<1x256x128xf32, #tpu.memory_space<vmem>> -> memref<256x128xf32, #tpu.memory_space<vmem>>
    %dma_wait3A_239 = arith.constant 0 : i32
    %dma_wait3A_240 = arith.constant 0 : i32
    %dma_wait3A_241 = tpu.memref_slice %dma_wait3A_238[%dma_wait3A_239, %dma_wait3A_240] : memref<256x128xf32, #tpu.memory_space<vmem>> -> memref<128x128xf32, #tpu.memory_space<vmem>>
    %dma_wait3A_242 = arith.constant 0 : i32
    %dma_wait3A_243 = arith.constant 0 : i32
    %dma_wait3A_244 = tpu.memref_slice %arg7[%dma_wait3A_232, %dma_wait3A_242, %dma_wait3A_243] : memref<2x4x128xi32, #tpu.memory_space<vmem>> -> memref<1x4x128xi32, #tpu.memory_space<vmem>>
    %dma_wait3A_245 = tpu.memref_squeeze %dma_wait3A_244 : memref<1x4x128xi32, #tpu.memory_space<vmem>> -> memref<4x128xi32, #tpu.memory_space<vmem>>
    %dma_wait3A_246 = arith.constant 0 : i32
    %dma_wait3A_247 = tpu.memref_slice %dma_wait3A_245[%dma_wait3A_233, %dma_wait3A_246] : memref<4x128xi32, #tpu.memory_space<vmem>> -> memref<1x128xi32, #tpu.memory_space<vmem>>
    %dma_wait3A_248 = tpu.memref_squeeze %dma_wait3A_247 : memref<1x128xi32, #tpu.memory_space<vmem>> -> memref<128xi32, #tpu.memory_space<vmem>>
    %dma_wait3A_249 = arith.constant 0 : i32
    %dma_wait3A_250 = arith.constant 0 : i32
    %dma_wait3A_251 = tpu.memref_slice %arg4[%dma_wait3A_249, %dma_wait3A_250] : memref<1000000x128xf32, #tpu.memory_space<hbm>> -> memref<1000000x128xf32, #tpu.memory_space<hbm>>
    tpu.wait_indirect_dma semaphore(%arg9 : memref<!tpu.dma_semaphore, #tpu.memory_space<semaphore_mem>>) src(%dma_wait3A_251 : memref<1000000x128xf32, #tpu.memory_space<hbm>>) dst(%dma_wait3A_241 : memref<128x128xf32, #tpu.memory_space<vmem>>)
    %dma_wait3A_252 = arith.constant 0 : i32
    %dma_wait3A_253 = arith.constant 3 : i32
    %dma_wait3A_254 = arith.constant 1 : i32
    %dma_wait3A_255 = arith.constant 0 : i32
    %dma_wait3A_256 = arith.constant 0 : i32
    %dma_wait3A_257 = tpu.memref_slice %arg8[%dma_wait3A_254, %dma_wait3A_255, %dma_wait3A_256] : memref<3x256x128xf32, #tpu.memory_space<vmem>> -> memref<1x256x128xf32, #tpu.memory_space<vmem>>
    %dma_wait3A_258 = tpu.memref_squeeze %dma_wait3A_257 : memref<1x256x128xf32, #tpu.memory_space<vmem>> -> memref<256x128xf32, #tpu.memory_space<vmem>>
    %dma_wait3A_259 = arith.constant 128 : i32
    %dma_wait3A_260 = arith.constant 0 : i32
    %dma_wait3A_261 = tpu.memref_slice %dma_wait3A_258[%dma_wait3A_259, %dma_wait3A_260] : memref<256x128xf32, #tpu.memory_space<vmem>> -> memref<128x128xf32, #tpu.memory_space<vmem>>
    %dma_wait3A_262 = arith.constant 0 : i32
    %dma_wait3A_263 = arith.constant 0 : i32
    %dma_wait3A_264 = tpu.memref_slice %arg7[%dma_wait3A_252, %dma_wait3A_262, %dma_wait3A_263] : memref<2x4x128xi32, #tpu.memory_space<vmem>> -> memref<1x4x128xi32, #tpu.memory_space<vmem>>
    %dma_wait3A_265 = tpu.memref_squeeze %dma_wait3A_264 : memref<1x4x128xi32, #tpu.memory_space<vmem>> -> memref<4x128xi32, #tpu.memory_space<vmem>>
    %dma_wait3A_266 = arith.constant 0 : i32
    %dma_wait3A_267 = tpu.memref_slice %dma_wait3A_265[%dma_wait3A_253, %dma_wait3A_266] : memref<4x128xi32, #tpu.memory_space<vmem>> -> memref<1x128xi32, #tpu.memory_space<vmem>>
    %dma_wait3A_268 = tpu.memref_squeeze %dma_wait3A_267 : memref<1x128xi32, #tpu.memory_space<vmem>> -> memref<128xi32, #tpu.memory_space<vmem>>
    %dma_wait3A_269 = arith.constant 0 : i32
    %dma_wait3A_270 = arith.constant 0 : i32
    %dma_wait3A_271 = tpu.memref_slice %arg4[%dma_wait3A_269, %dma_wait3A_270] : memref<1000000x128xf32, #tpu.memory_space<hbm>> -> memref<1000000x128xf32, #tpu.memory_space<hbm>>
    tpu.wait_indirect_dma semaphore(%arg9 : memref<!tpu.dma_semaphore, #tpu.memory_space<semaphore_mem>>) src(%dma_wait3A_271 : memref<1000000x128xf32, #tpu.memory_space<hbm>>) dst(%dma_wait3A_261 : memref<128x128xf32, #tpu.memory_space<vmem>>)
    %add3A_272 = arith.constant 256 : i32
    %add3A_273 = arith.addi %mul3A_2, %add3A_272 : i32
    %dma_start3A_274 = arith.constant 1 : i32
    %dma_start3A_275 = arith.constant 0 : i32
    %dma_start3A_276 = arith.constant 0 : i32
    %dma_start3A_277 = tpu.memref_slice %arg8[%dma_start3A_274, %dma_start3A_275, %dma_start3A_276] : memref<3x256x128xf32, #tpu.memory_space<vmem>> -> memref<1x256x128xf32, #tpu.memory_space<vmem>>
    %dma_start3A_278 = tpu.memref_squeeze %dma_start3A_277 : memref<1x256x128xf32, #tpu.memory_space<vmem>> -> memref<256x128xf32, #tpu.memory_space<vmem>>
    %dma_start3A_279 = arith.constant 0 : i32
    %dma_start3A_280 = tpu.memref_slice %arg5[%add3A_273, %dma_start3A_279] : memref<16384x128xf32, #tpu.memory_space<hbm>> -> memref<256x128xf32, #tpu.memory_space<hbm>>
    %dma_start3A_281 = arith.constant 0 : i32
    %dma_start3A_282 = tpu.memref_slice %arg5[%add3A_273, %dma_start3A_281] : memref<16384x128xf32, #tpu.memory_space<hbm>> -> memref<256x128xf32, #tpu.memory_space<hbm>>
    %dma_start3A_283 = arith.constant 0 : i32
    %dma_start3A_284 = arith.constant 0 : i32
    %dma_start3A_285 = tpu.memref_slice %arg8[%dma_start3A_274, %dma_start3A_283, %dma_start3A_284] : memref<3x256x128xf32, #tpu.memory_space<vmem>> -> memref<1x256x128xf32, #tpu.memory_space<vmem>>
    %dma_start3A_286 = tpu.memref_squeeze %dma_start3A_285 : memref<1x256x128xf32, #tpu.memory_space<vmem>> -> memref<256x128xf32, #tpu.memory_space<vmem>>
    tpu.enqueue_dma source(%dma_start3A_286 : memref<256x128xf32, #tpu.memory_space<vmem>>) target(%dma_start3A_282 : memref<256x128xf32, #tpu.memory_space<hbm>>) target_semaphore(%arg10 : memref<!tpu.dma_semaphore, #tpu.memory_space<semaphore_mem>>)
    %dma_wait3A_287 = arith.constant 1 : i32
    %dma_wait3A_288 = arith.constant 0 : i32
    %dma_wait3A_289 = arith.constant 2 : i32
    %dma_wait3A_290 = arith.constant 0 : i32
    %dma_wait3A_291 = arith.constant 0 : i32
    %dma_wait3A_292 = tpu.memref_slice %arg8[%dma_wait3A_289, %dma_wait3A_290, %dma_wait3A_291] : memref<3x256x128xf32, #tpu.memory_space<vmem>> -> memref<1x256x128xf32, #tpu.memory_space<vmem>>
    %dma_wait3A_293 = tpu.memref_squeeze %dma_wait3A_292 : memref<1x256x128xf32, #tpu.memory_space<vmem>> -> memref<256x128xf32, #tpu.memory_space<vmem>>
    %dma_wait3A_294 = arith.constant 0 : i32
    %dma_wait3A_295 = arith.constant 0 : i32
    %dma_wait3A_296 = tpu.memref_slice %dma_wait3A_293[%dma_wait3A_294, %dma_wait3A_295] : memref<256x128xf32, #tpu.memory_space<vmem>> -> memref<128x128xf32, #tpu.memory_space<vmem>>
    %dma_wait3A_297 = arith.constant 0 : i32
    %dma_wait3A_298 = arith.constant 0 : i32
    %dma_wait3A_299 = tpu.memref_slice %arg7[%dma_wait3A_287, %dma_wait3A_297, %dma_wait3A_298] : memref<2x4x128xi32, #tpu.memory_space<vmem>> -> memref<1x4x128xi32, #tpu.memory_space<vmem>>
    %dma_wait3A_300 = tpu.memref_squeeze %dma_wait3A_299 : memref<1x4x128xi32, #tpu.memory_space<vmem>> -> memref<4x128xi32, #tpu.memory_space<vmem>>
    %dma_wait3A_301 = arith.constant 0 : i32
    %dma_wait3A_302 = tpu.memref_slice %dma_wait3A_300[%dma_wait3A_288, %dma_wait3A_301] : memref<4x128xi32, #tpu.memory_space<vmem>> -> memref<1x128xi32, #tpu.memory_space<vmem>>
    %dma_wait3A_303 = tpu.memref_squeeze %dma_wait3A_302 : memref<1x128xi32, #tpu.memory_space<vmem>> -> memref<128xi32, #tpu.memory_space<vmem>>
    %dma_wait3A_304 = arith.constant 0 : i32
    %dma_wait3A_305 = arith.constant 0 : i32
    %dma_wait3A_306 = tpu.memref_slice %arg4[%dma_wait3A_304, %dma_wait3A_305] : memref<1000000x128xf32, #tpu.memory_space<hbm>> -> memref<1000000x128xf32, #tpu.memory_space<hbm>>
    tpu.wait_indirect_dma semaphore(%arg9 : memref<!tpu.dma_semaphore, #tpu.memory_space<semaphore_mem>>) src(%dma_wait3A_306 : memref<1000000x128xf32, #tpu.memory_space<hbm>>) dst(%dma_wait3A_296 : memref<128x128xf32, #tpu.memory_space<vmem>>)
    %dma_wait3A_307 = arith.constant 1 : i32
    %dma_wait3A_308 = arith.constant 1 : i32
    %dma_wait3A_309 = arith.constant 2 : i32
    %dma_wait3A_310 = arith.constant 0 : i32
    %dma_wait3A_311 = arith.constant 0 : i32
    %dma_wait3A_312 = tpu.memref_slice %arg8[%dma_wait3A_309, %dma_wait3A_310, %dma_wait3A_311] : memref<3x256x128xf32, #tpu.memory_space<vmem>> -> memref<1x256x128xf32, #tpu.memory_space<vmem>>
    %dma_wait3A_313 = tpu.memref_squeeze %dma_wait3A_312 : memref<1x256x128xf32, #tpu.memory_space<vmem>> -> memref<256x128xf32, #tpu.memory_space<vmem>>
    %dma_wait3A_314 = arith.constant 128 : i32
    %dma_wait3A_315 = arith.constant 0 : i32
    %dma_wait3A_316 = tpu.memref_slice %dma_wait3A_313[%dma_wait3A_314, %dma_wait3A_315] : memref<256x128xf32, #tpu.memory_space<vmem>> -> memref<128x128xf32, #tpu.memory_space<vmem>>
    %dma_wait3A_317 = arith.constant 0 : i32
    %dma_wait3A_318 = arith.constant 0 : i32
    %dma_wait3A_319 = tpu.memref_slice %arg7[%dma_wait3A_307, %dma_wait3A_317, %dma_wait3A_318] : memref<2x4x128xi32, #tpu.memory_space<vmem>> -> memref<1x4x128xi32, #tpu.memory_space<vmem>>
    %dma_wait3A_320 = tpu.memref_squeeze %dma_wait3A_319 : memref<1x4x128xi32, #tpu.memory_space<vmem>> -> memref<4x128xi32, #tpu.memory_space<vmem>>
    %dma_wait3A_321 = arith.constant 0 : i32
    %dma_wait3A_322 = tpu.memref_slice %dma_wait3A_320[%dma_wait3A_308, %dma_wait3A_321] : memref<4x128xi32, #tpu.memory_space<vmem>> -> memref<1x128xi32, #tpu.memory_space<vmem>>
    %dma_wait3A_323 = tpu.memref_squeeze %dma_wait3A_322 : memref<1x128xi32, #tpu.memory_space<vmem>> -> memref<128xi32, #tpu.memory_space<vmem>>
    %dma_wait3A_324 = arith.constant 0 : i32
    %dma_wait3A_325 = arith.constant 0 : i32
    %dma_wait3A_326 = tpu.memref_slice %arg4[%dma_wait3A_324, %dma_wait3A_325] : memref<1000000x128xf32, #tpu.memory_space<hbm>> -> memref<1000000x128xf32, #tpu.memory_space<hbm>>
    tpu.wait_indirect_dma semaphore(%arg9 : memref<!tpu.dma_semaphore, #tpu.memory_space<semaphore_mem>>) src(%dma_wait3A_326 : memref<1000000x128xf32, #tpu.memory_space<hbm>>) dst(%dma_wait3A_316 : memref<128x128xf32, #tpu.memory_space<vmem>>)
    %add3A_327 = arith.constant 0 : i32
    %add3A_328 = arith.addi %mul3A_2, %add3A_327 : i32
    %dma_start3A_329 = arith.constant 2 : i32
    %dma_start3A_330 = arith.constant 0 : i32
    %dma_start3A_331 = arith.constant 0 : i32
    %dma_start3A_332 = tpu.memref_slice %arg8[%dma_start3A_329, %dma_start3A_330, %dma_start3A_331] : memref<3x256x128xf32, #tpu.memory_space<vmem>> -> memref<1x256x128xf32, #tpu.memory_space<vmem>>
    %dma_start3A_333 = tpu.memref_squeeze %dma_start3A_332 : memref<1x256x128xf32, #tpu.memory_space<vmem>> -> memref<256x128xf32, #tpu.memory_space<vmem>>
    %dma_start3A_334 = arith.constant 0 : i32
    %dma_start3A_335 = tpu.memref_slice %arg6[%add3A_328, %dma_start3A_334] : memref<16384x128xf32, #tpu.memory_space<hbm>> -> memref<256x128xf32, #tpu.memory_space<hbm>>
    %dma_start3A_336 = arith.constant 0 : i32
    %dma_start3A_337 = tpu.memref_slice %arg6[%add3A_328, %dma_start3A_336] : memref<16384x128xf32, #tpu.memory_space<hbm>> -> memref<256x128xf32, #tpu.memory_space<hbm>>
    %dma_start3A_338 = arith.constant 0 : i32
    %dma_start3A_339 = arith.constant 0 : i32
    %dma_start3A_340 = tpu.memref_slice %arg8[%dma_start3A_329, %dma_start3A_338, %dma_start3A_339] : memref<3x256x128xf32, #tpu.memory_space<vmem>> -> memref<1x256x128xf32, #tpu.memory_space<vmem>>
    %dma_start3A_341 = tpu.memref_squeeze %dma_start3A_340 : memref<1x256x128xf32, #tpu.memory_space<vmem>> -> memref<256x128xf32, #tpu.memory_space<vmem>>
    tpu.enqueue_dma source(%dma_start3A_341 : memref<256x128xf32, #tpu.memory_space<vmem>>) target(%dma_start3A_337 : memref<256x128xf32, #tpu.memory_space<hbm>>) target_semaphore(%arg10 : memref<!tpu.dma_semaphore, #tpu.memory_space<semaphore_mem>>)
    %dma_wait3A_342 = arith.constant 1 : i32
    %dma_wait3A_343 = arith.constant 2 : i32
    %dma_wait3A_344 = arith.constant 0 : i32
    %dma_wait3A_345 = arith.constant 0 : i32
    %dma_wait3A_346 = arith.constant 0 : i32
    %dma_wait3A_347 = tpu.memref_slice %arg8[%dma_wait3A_344, %dma_wait3A_345, %dma_wait3A_346] : memref<3x256x128xf32, #tpu.memory_space<vmem>> -> memref<1x256x128xf32, #tpu.memory_space<vmem>>
    %dma_wait3A_348 = tpu.memref_squeeze %dma_wait3A_347 : memref<1x256x128xf32, #tpu.memory_space<vmem>> -> memref<256x128xf32, #tpu.memory_space<vmem>>
    %dma_wait3A_349 = arith.constant 0 : i32
    %dma_wait3A_350 = arith.constant 0 : i32
    %dma_wait3A_351 = tpu.memref_slice %dma_wait3A_348[%dma_wait3A_349, %dma_wait3A_350] : memref<256x128xf32, #tpu.memory_space<vmem>> -> memref<128x128xf32, #tpu.memory_space<vmem>>
    %dma_wait3A_352 = arith.constant 0 : i32
    %dma_wait3A_353 = arith.constant 0 : i32
    %dma_wait3A_354 = tpu.memref_slice %arg7[%dma_wait3A_342, %dma_wait3A_352, %dma_wait3A_353] : memref<2x4x128xi32, #tpu.memory_space<vmem>> -> memref<1x4x128xi32, #tpu.memory_space<vmem>>
    %dma_wait3A_355 = tpu.memref_squeeze %dma_wait3A_354 : memref<1x4x128xi32, #tpu.memory_space<vmem>> -> memref<4x128xi32, #tpu.memory_space<vmem>>
    %dma_wait3A_356 = arith.constant 0 : i32
    %dma_wait3A_357 = tpu.memref_slice %dma_wait3A_355[%dma_wait3A_343, %dma_wait3A_356] : memref<4x128xi32, #tpu.memory_space<vmem>> -> memref<1x128xi32, #tpu.memory_space<vmem>>
    %dma_wait3A_358 = tpu.memref_squeeze %dma_wait3A_357 : memref<1x128xi32, #tpu.memory_space<vmem>> -> memref<128xi32, #tpu.memory_space<vmem>>
    %dma_wait3A_359 = arith.constant 0 : i32
    %dma_wait3A_360 = arith.constant 0 : i32
    %dma_wait3A_361 = tpu.memref_slice %arg4[%dma_wait3A_359, %dma_wait3A_360] : memref<1000000x128xf32, #tpu.memory_space<hbm>> -> memref<1000000x128xf32, #tpu.memory_space<hbm>>
    tpu.wait_indirect_dma semaphore(%arg9 : memref<!tpu.dma_semaphore, #tpu.memory_space<semaphore_mem>>) src(%dma_wait3A_361 : memref<1000000x128xf32, #tpu.memory_space<hbm>>) dst(%dma_wait3A_351 : memref<128x128xf32, #tpu.memory_space<vmem>>)
    %dma_wait3A_362 = arith.constant 1 : i32
    %dma_wait3A_363 = arith.constant 3 : i32
    %dma_wait3A_364 = arith.constant 0 : i32
    %dma_wait3A_365 = arith.constant 0 : i32
    %dma_wait3A_366 = arith.constant 0 : i32
    %dma_wait3A_367 = tpu.memref_slice %arg8[%dma_wait3A_364, %dma_wait3A_365, %dma_wait3A_366] : memref<3x256x128xf32, #tpu.memory_space<vmem>> -> memref<1x256x128xf32, #tpu.memory_space<vmem>>
    %dma_wait3A_368 = tpu.memref_squeeze %dma_wait3A_367 : memref<1x256x128xf32, #tpu.memory_space<vmem>> -> memref<256x128xf32, #tpu.memory_space<vmem>>
    %dma_wait3A_369 = arith.constant 128 : i32
    %dma_wait3A_370 = arith.constant 0 : i32
    %dma_wait3A_371 = tpu.memref_slice %dma_wait3A_368[%dma_wait3A_369, %dma_wait3A_370] : memref<256x128xf32, #tpu.memory_space<vmem>> -> memref<128x128xf32, #tpu.memory_space<vmem>>
    %dma_wait3A_372 = arith.constant 0 : i32
    %dma_wait3A_373 = arith.constant 0 : i32
    %dma_wait3A_374 = tpu.memref_slice %arg7[%dma_wait3A_362, %dma_wait3A_372, %dma_wait3A_373] : memref<2x4x128xi32, #tpu.memory_space<vmem>> -> memref<1x4x128xi32, #tpu.memory_space<vmem>>
    %dma_wait3A_375 = tpu.memref_squeeze %dma_wait3A_374 : memref<1x4x128xi32, #tpu.memory_space<vmem>> -> memref<4x128xi32, #tpu.memory_space<vmem>>
    %dma_wait3A_376 = arith.constant 0 : i32
    %dma_wait3A_377 = tpu.memref_slice %dma_wait3A_375[%dma_wait3A_363, %dma_wait3A_376] : memref<4x128xi32, #tpu.memory_space<vmem>> -> memref<1x128xi32, #tpu.memory_space<vmem>>
    %dma_wait3A_378 = tpu.memref_squeeze %dma_wait3A_377 : memref<1x128xi32, #tpu.memory_space<vmem>> -> memref<128xi32, #tpu.memory_space<vmem>>
    %dma_wait3A_379 = arith.constant 0 : i32
    %dma_wait3A_380 = arith.constant 0 : i32
    %dma_wait3A_381 = tpu.memref_slice %arg4[%dma_wait3A_379, %dma_wait3A_380] : memref<1000000x128xf32, #tpu.memory_space<hbm>> -> memref<1000000x128xf32, #tpu.memory_space<hbm>>
    tpu.wait_indirect_dma semaphore(%arg9 : memref<!tpu.dma_semaphore, #tpu.memory_space<semaphore_mem>>) src(%dma_wait3A_381 : memref<1000000x128xf32, #tpu.memory_space<hbm>>) dst(%dma_wait3A_371 : memref<128x128xf32, #tpu.memory_space<vmem>>)
    %add3A_382 = arith.constant 256 : i32
    %add3A_383 = arith.addi %mul3A_2, %add3A_382 : i32
    %dma_start3A_384 = arith.constant 0 : i32
    %dma_start3A_385 = arith.constant 0 : i32
    %dma_start3A_386 = arith.constant 0 : i32
    %dma_start3A_387 = tpu.memref_slice %arg8[%dma_start3A_384, %dma_start3A_385, %dma_start3A_386] : memref<3x256x128xf32, #tpu.memory_space<vmem>> -> memref<1x256x128xf32, #tpu.memory_space<vmem>>
    %dma_start3A_388 = tpu.memref_squeeze %dma_start3A_387 : memref<1x256x128xf32, #tpu.memory_space<vmem>> -> memref<256x128xf32, #tpu.memory_space<vmem>>
    %dma_start3A_389 = arith.constant 0 : i32
    %dma_start3A_390 = tpu.memref_slice %arg6[%add3A_383, %dma_start3A_389] : memref<16384x128xf32, #tpu.memory_space<hbm>> -> memref<256x128xf32, #tpu.memory_space<hbm>>
    %dma_start3A_391 = arith.constant 0 : i32
    %dma_start3A_392 = tpu.memref_slice %arg6[%add3A_383, %dma_start3A_391] : memref<16384x128xf32, #tpu.memory_space<hbm>> -> memref<256x128xf32, #tpu.memory_space<hbm>>
    %dma_start3A_393 = arith.constant 0 : i32
    %dma_start3A_394 = arith.constant 0 : i32
    %dma_start3A_395 = tpu.memref_slice %arg8[%dma_start3A_384, %dma_start3A_393, %dma_start3A_394] : memref<3x256x128xf32, #tpu.memory_space<vmem>> -> memref<1x256x128xf32, #tpu.memory_space<vmem>>
    %dma_start3A_396 = tpu.memref_squeeze %dma_start3A_395 : memref<1x256x128xf32, #tpu.memory_space<vmem>> -> memref<256x128xf32, #tpu.memory_space<vmem>>
    tpu.enqueue_dma source(%dma_start3A_396 : memref<256x128xf32, #tpu.memory_space<vmem>>) target(%dma_start3A_392 : memref<256x128xf32, #tpu.memory_space<hbm>>) target_semaphore(%arg10 : memref<!tpu.dma_semaphore, #tpu.memory_space<semaphore_mem>>)
    %dma_wait3A_397 = arith.constant 1 : i32
    %dma_wait3A_398 = arith.constant 0 : i32
    %dma_wait3A_399 = arith.constant 0 : i32
    %dma_wait3A_400 = tpu.memref_slice %arg8[%dma_wait3A_397, %dma_wait3A_398, %dma_wait3A_399] : memref<3x256x128xf32, #tpu.memory_space<vmem>> -> memref<1x256x128xf32, #tpu.memory_space<vmem>>
    %dma_wait3A_401 = tpu.memref_squeeze %dma_wait3A_400 : memref<1x256x128xf32, #tpu.memory_space<vmem>> -> memref<256x128xf32, #tpu.memory_space<vmem>>
    %dma_wait3A_402 = arith.constant 0 : i32
    %dma_wait3A_403 = tpu.memref_slice %arg5[%add3A_273, %dma_wait3A_402] : memref<16384x128xf32, #tpu.memory_space<hbm>> -> memref<256x128xf32, #tpu.memory_space<hbm>>
    %dma_wait3A_404 = arith.constant 0 : i32
    %dma_wait3A_405 = tpu.memref_slice %arg5[%add3A_273, %dma_wait3A_404] : memref<16384x128xf32, #tpu.memory_space<hbm>> -> memref<256x128xf32, #tpu.memory_space<hbm>>
    %dma_wait3A_406 = arith.constant 0 : i32
    %dma_wait3A_407 = arith.constant 0 : i32
    %dma_wait3A_408 = tpu.memref_slice %arg8[%dma_wait3A_397, %dma_wait3A_406, %dma_wait3A_407] : memref<3x256x128xf32, #tpu.memory_space<vmem>> -> memref<1x256x128xf32, #tpu.memory_space<vmem>>
    %dma_wait3A_409 = tpu.memref_squeeze %dma_wait3A_408 : memref<1x256x128xf32, #tpu.memory_space<vmem>> -> memref<256x128xf32, #tpu.memory_space<vmem>>
    tpu.wait_dma2 semaphore(%arg10 : memref<!tpu.dma_semaphore, #tpu.memory_space<semaphore_mem>>) src(%dma_wait3A_409 : memref<256x128xf32, #tpu.memory_space<vmem>>) dst(%dma_wait3A_405 : memref<256x128xf32, #tpu.memory_space<hbm>>)
    %dma_wait3A_410 = arith.constant 2 : i32
    %dma_wait3A_411 = arith.constant 0 : i32
    %dma_wait3A_412 = arith.constant 0 : i32
    %dma_wait3A_413 = tpu.memref_slice %arg8[%dma_wait3A_410, %dma_wait3A_411, %dma_wait3A_412] : memref<3x256x128xf32, #tpu.memory_space<vmem>> -> memref<1x256x128xf32, #tpu.memory_space<vmem>>
    %dma_wait3A_414 = tpu.memref_squeeze %dma_wait3A_413 : memref<1x256x128xf32, #tpu.memory_space<vmem>> -> memref<256x128xf32, #tpu.memory_space<vmem>>
    %dma_wait3A_415 = arith.constant 0 : i32
    %dma_wait3A_416 = tpu.memref_slice %arg6[%add3A_328, %dma_wait3A_415] : memref<16384x128xf32, #tpu.memory_space<hbm>> -> memref<256x128xf32, #tpu.memory_space<hbm>>
    %dma_wait3A_417 = arith.constant 0 : i32
    %dma_wait3A_418 = tpu.memref_slice %arg6[%add3A_328, %dma_wait3A_417] : memref<16384x128xf32, #tpu.memory_space<hbm>> -> memref<256x128xf32, #tpu.memory_space<hbm>>
    %dma_wait3A_419 = arith.constant 0 : i32
    %dma_wait3A_420 = arith.constant 0 : i32
    %dma_wait3A_421 = tpu.memref_slice %arg8[%dma_wait3A_410, %dma_wait3A_419, %dma_wait3A_420] : memref<3x256x128xf32, #tpu.memory_space<vmem>> -> memref<1x256x128xf32, #tpu.memory_space<vmem>>
    %dma_wait3A_422 = tpu.memref_squeeze %dma_wait3A_421 : memref<1x256x128xf32, #tpu.memory_space<vmem>> -> memref<256x128xf32, #tpu.memory_space<vmem>>
    tpu.wait_dma2 semaphore(%arg10 : memref<!tpu.dma_semaphore, #tpu.memory_space<semaphore_mem>>) src(%dma_wait3A_422 : memref<256x128xf32, #tpu.memory_space<vmem>>) dst(%dma_wait3A_418 : memref<256x128xf32, #tpu.memory_space<hbm>>)
    %dma_wait3A_423 = arith.constant 0 : i32
    %dma_wait3A_424 = arith.constant 0 : i32
    %dma_wait3A_425 = arith.constant 0 : i32
    %dma_wait3A_426 = tpu.memref_slice %arg8[%dma_wait3A_423, %dma_wait3A_424, %dma_wait3A_425] : memref<3x256x128xf32, #tpu.memory_space<vmem>> -> memref<1x256x128xf32, #tpu.memory_space<vmem>>
    %dma_wait3A_427 = tpu.memref_squeeze %dma_wait3A_426 : memref<1x256x128xf32, #tpu.memory_space<vmem>> -> memref<256x128xf32, #tpu.memory_space<vmem>>
    %dma_wait3A_428 = arith.constant 0 : i32
    %dma_wait3A_429 = tpu.memref_slice %arg6[%add3A_383, %dma_wait3A_428] : memref<16384x128xf32, #tpu.memory_space<hbm>> -> memref<256x128xf32, #tpu.memory_space<hbm>>
    %dma_wait3A_430 = arith.constant 0 : i32
    %dma_wait3A_431 = tpu.memref_slice %arg6[%add3A_383, %dma_wait3A_430] : memref<16384x128xf32, #tpu.memory_space<hbm>> -> memref<256x128xf32, #tpu.memory_space<hbm>>
    %dma_wait3A_432 = arith.constant 0 : i32
    %dma_wait3A_433 = arith.constant 0 : i32
    %dma_wait3A_434 = tpu.memref_slice %arg8[%dma_wait3A_423, %dma_wait3A_432, %dma_wait3A_433] : memref<3x256x128xf32, #tpu.memory_space<vmem>> -> memref<1x256x128xf32, #tpu.memory_space<vmem>>
    %dma_wait3A_435 = tpu.memref_squeeze %dma_wait3A_434 : memref<1x256x128xf32, #tpu.memory_space<vmem>> -> memref<256x128xf32, #tpu.memory_space<vmem>>
    tpu.wait_dma2 semaphore(%arg10 : memref<!tpu.dma_semaphore, #tpu.memory_space<semaphore_mem>>) src(%dma_wait3A_435 : memref<256x128xf32, #tpu.memory_space<vmem>>) dst(%dma_wait3A_431 : memref<256x128xf32, #tpu.memory_space<hbm>>)
    return
  }
}

module attributes {stable_mosaic.version = 14 : i64} {
  func.func @_rel_body(%arg0: i32, %arg1: memref<16x128xi32, #tpu.memory_space<vmem>>, %arg2: memref<1024x128xbf16, #tpu.memory_space<vmem>>, %arg3: memref<2048x128xf32, #tpu.memory_space<vmem>>) attributes {dimension_semantics = [#tpu.dimension_semantics<arbitrary>], iteration_bounds = array<i64: 8>, scalar_prefetch = 0 : i64, scratch_operands = 0 : i64, tpu.core_type = #tpu.core_type<tc>, window_params = [{transform_indices = @transform_0, window_bounds = array<i64: 16, 128>}, {pipeline_mode = #tpu.pipeline_mode<synchronous>, transform_indices = @transform_1, window_bounds = array<i64: 1024, 128>}, {transform_indices = @transform_2, window_bounds = array<i64: 2048, 128>}]} {
    %iota3A = tpu.iota {dimensions = array<i32: 0>} : vector<1024x1xi32>
    %get3A = arith.constant 0 : index
    %get3A_0 = arith.constant 0 : index
    %get3A_1 = vector.load %arg2[%get3A, %get3A_0] : memref<1024x128xbf16, #tpu.memory_space<vmem>>, vector<1024x128xbf16>
    %get3A_2 = arith.constant 0 : index
    %get3A_3 = arith.constant 0 : index
    %get3A_4 = vector.load %arg1[%get3A_2, %get3A_3] : memref<16x128xi32, #tpu.memory_space<vmem>>, vector<2x128xi32>
    %reshape3A = vector.shape_cast %get3A_4 : vector<2x128xi32> to vector<1x256xi32>
    %eq3A = vector.broadcast %iota3A : vector<1024x1xi32> to vector<1024x256xi32>
    %eq3A_5 = vector.broadcast %reshape3A : vector<1x256xi32> to vector<1024x256xi32>
    %eq3A_6 = arith.cmpi eq, %eq3A, %eq3A_5 : vector<1024x256xi32>
    %convert_element_type3A = arith.extui %eq3A_6 : vector<1024x256xi1> to vector<1024x256xi32>
    %convert_element_type3A_7 = arith.sitofp %convert_element_type3A : vector<1024x256xi32> to vector<1024x256xf32>
    %convert_element_type3A_8 = arith.truncf %convert_element_type3A_7 : vector<1024x256xf32> to vector<1024x256xbf16>
    %dot_general3A = arith.constant dense<0.000000e+00> : vector<256x128xf32>
    %dot_general3A_9 = tpu.matmul %convert_element_type3A_8, %get3A_1, %dot_general3A {dimension_numbers = #tpu.dot_dimension_numbers<[0], [0], [1], [1], [0, 1, 1, 1], [], []>, transpose_lhs_hint = false} : vector<1024x256xbf16>, vector<1024x128xbf16>, vector<256x128xf32> -> vector<256x128xf32>
    %swap3A = arith.constant 0 : index
    %swap3A_10 = arith.constant 0 : index
    %swap3A_11 = vector.load %arg3[%swap3A, %swap3A_10] : memref<2048x128xf32, #tpu.memory_space<vmem>>, vector<256x128xf32>
    tpu.vector_store %arg3[%swap3A, %swap3A_10], %dot_general3A_9 {strides = array<i32>} : memref<2048x128xf32, #tpu.memory_space<vmem>>, vector<256x128xf32>,
    %get3A_12 = arith.constant 2 : index
    %get3A_13 = arith.constant 0 : index
    %get3A_14 = vector.load %arg1[%get3A_12, %get3A_13] : memref<16x128xi32, #tpu.memory_space<vmem>>, vector<2x128xi32>
    %reshape3A_15 = vector.shape_cast %get3A_14 : vector<2x128xi32> to vector<1x256xi32>
    %eq3A_16 = vector.broadcast %iota3A : vector<1024x1xi32> to vector<1024x256xi32>
    %eq3A_17 = vector.broadcast %reshape3A_15 : vector<1x256xi32> to vector<1024x256xi32>
    %eq3A_18 = arith.cmpi eq, %eq3A_16, %eq3A_17 : vector<1024x256xi32>
    %convert_element_type3A_19 = arith.extui %eq3A_18 : vector<1024x256xi1> to vector<1024x256xi32>
    %convert_element_type3A_20 = arith.sitofp %convert_element_type3A_19 : vector<1024x256xi32> to vector<1024x256xf32>
    %convert_element_type3A_21 = arith.truncf %convert_element_type3A_20 : vector<1024x256xf32> to vector<1024x256xbf16>
    %dot_general3A_22 = arith.constant dense<0.000000e+00> : vector<256x128xf32>
    %dot_general3A_23 = tpu.matmul %convert_element_type3A_21, %get3A_1, %dot_general3A_22 {dimension_numbers = #tpu.dot_dimension_numbers<[0], [0], [1], [1], [0, 1, 1, 1], [], []>, transpose_lhs_hint = false} : vector<1024x256xbf16>, vector<1024x128xbf16>, vector<256x128xf32> -> vector<256x128xf32>
    %swap3A_24 = arith.constant 256 : index
    %swap3A_25 = arith.constant 0 : index
    %swap3A_26 = vector.load %arg3[%swap3A_24, %swap3A_25] : memref<2048x128xf32, #tpu.memory_space<vmem>>, vector<256x128xf32>
    tpu.vector_store %arg3[%swap3A_24, %swap3A_25], %dot_general3A_23 {strides = array<i32>} : memref<2048x128xf32, #tpu.memory_space<vmem>>, vector<256x128xf32>,
    %get3A_27 = arith.constant 4 : index
    %get3A_28 = arith.constant 0 : index
    %get3A_29 = vector.load %arg1[%get3A_27, %get3A_28] : memref<16x128xi32, #tpu.memory_space<vmem>>, vector<2x128xi32>
    %reshape3A_30 = vector.shape_cast %get3A_29 : vector<2x128xi32> to vector<1x256xi32>
    %eq3A_31 = vector.broadcast %iota3A : vector<1024x1xi32> to vector<1024x256xi32>
    %eq3A_32 = vector.broadcast %reshape3A_30 : vector<1x256xi32> to vector<1024x256xi32>
    %eq3A_33 = arith.cmpi eq, %eq3A_31, %eq3A_32 : vector<1024x256xi32>
    %convert_element_type3A_34 = arith.extui %eq3A_33 : vector<1024x256xi1> to vector<1024x256xi32>
    %convert_element_type3A_35 = arith.sitofp %convert_element_type3A_34 : vector<1024x256xi32> to vector<1024x256xf32>
    %convert_element_type3A_36 = arith.truncf %convert_element_type3A_35 : vector<1024x256xf32> to vector<1024x256xbf16>
    %dot_general3A_37 = arith.constant dense<0.000000e+00> : vector<256x128xf32>
    %dot_general3A_38 = tpu.matmul %convert_element_type3A_36, %get3A_1, %dot_general3A_37 {dimension_numbers = #tpu.dot_dimension_numbers<[0], [0], [1], [1], [0, 1, 1, 1], [], []>, transpose_lhs_hint = false} : vector<1024x256xbf16>, vector<1024x128xbf16>, vector<256x128xf32> -> vector<256x128xf32>
    %swap3A_39 = arith.constant 512 : index
    %swap3A_40 = arith.constant 0 : index
    %swap3A_41 = vector.load %arg3[%swap3A_39, %swap3A_40] : memref<2048x128xf32, #tpu.memory_space<vmem>>, vector<256x128xf32>
    tpu.vector_store %arg3[%swap3A_39, %swap3A_40], %dot_general3A_38 {strides = array<i32>} : memref<2048x128xf32, #tpu.memory_space<vmem>>, vector<256x128xf32>,
    %get3A_42 = arith.constant 6 : index
    %get3A_43 = arith.constant 0 : index
    %get3A_44 = vector.load %arg1[%get3A_42, %get3A_43] : memref<16x128xi32, #tpu.memory_space<vmem>>, vector<2x128xi32>
    %reshape3A_45 = vector.shape_cast %get3A_44 : vector<2x128xi32> to vector<1x256xi32>
    %eq3A_46 = vector.broadcast %iota3A : vector<1024x1xi32> to vector<1024x256xi32>
    %eq3A_47 = vector.broadcast %reshape3A_45 : vector<1x256xi32> to vector<1024x256xi32>
    %eq3A_48 = arith.cmpi eq, %eq3A_46, %eq3A_47 : vector<1024x256xi32>
    %convert_element_type3A_49 = arith.extui %eq3A_48 : vector<1024x256xi1> to vector<1024x256xi32>
    %convert_element_type3A_50 = arith.sitofp %convert_element_type3A_49 : vector<1024x256xi32> to vector<1024x256xf32>
    %convert_element_type3A_51 = arith.truncf %convert_element_type3A_50 : vector<1024x256xf32> to vector<1024x256xbf16>
    %dot_general3A_52 = arith.constant dense<0.000000e+00> : vector<256x128xf32>
    %dot_general3A_53 = tpu.matmul %convert_element_type3A_51, %get3A_1, %dot_general3A_52 {dimension_numbers = #tpu.dot_dimension_numbers<[0], [0], [1], [1], [0, 1, 1, 1], [], []>, transpose_lhs_hint = false} : vector<1024x256xbf16>, vector<1024x128xbf16>, vector<256x128xf32> -> vector<256x128xf32>
    %swap3A_54 = arith.constant 768 : index
    %swap3A_55 = arith.constant 0 : index
    %swap3A_56 = vector.load %arg3[%swap3A_54, %swap3A_55] : memref<2048x128xf32, #tpu.memory_space<vmem>>, vector<256x128xf32>
    tpu.vector_store %arg3[%swap3A_54, %swap3A_55], %dot_general3A_53 {strides = array<i32>} : memref<2048x128xf32, #tpu.memory_space<vmem>>, vector<256x128xf32>,
    %get3A_57 = arith.constant 8 : index
    %get3A_58 = arith.constant 0 : index
    %get3A_59 = vector.load %arg1[%get3A_57, %get3A_58] : memref<16x128xi32, #tpu.memory_space<vmem>>, vector<2x128xi32>
    %reshape3A_60 = vector.shape_cast %get3A_59 : vector<2x128xi32> to vector<1x256xi32>
    %eq3A_61 = vector.broadcast %iota3A : vector<1024x1xi32> to vector<1024x256xi32>
    %eq3A_62 = vector.broadcast %reshape3A_60 : vector<1x256xi32> to vector<1024x256xi32>
    %eq3A_63 = arith.cmpi eq, %eq3A_61, %eq3A_62 : vector<1024x256xi32>
    %convert_element_type3A_64 = arith.extui %eq3A_63 : vector<1024x256xi1> to vector<1024x256xi32>
    %convert_element_type3A_65 = arith.sitofp %convert_element_type3A_64 : vector<1024x256xi32> to vector<1024x256xf32>
    %convert_element_type3A_66 = arith.truncf %convert_element_type3A_65 : vector<1024x256xf32> to vector<1024x256xbf16>
    %dot_general3A_67 = arith.constant dense<0.000000e+00> : vector<256x128xf32>
    %dot_general3A_68 = tpu.matmul %convert_element_type3A_66, %get3A_1, %dot_general3A_67 {dimension_numbers = #tpu.dot_dimension_numbers<[0], [0], [1], [1], [0, 1, 1, 1], [], []>, transpose_lhs_hint = false} : vector<1024x256xbf16>, vector<1024x128xbf16>, vector<256x128xf32> -> vector<256x128xf32>
    %swap3A_69 = arith.constant 1024 : index
    %swap3A_70 = arith.constant 0 : index
    %swap3A_71 = vector.load %arg3[%swap3A_69, %swap3A_70] : memref<2048x128xf32, #tpu.memory_space<vmem>>, vector<256x128xf32>
    tpu.vector_store %arg3[%swap3A_69, %swap3A_70], %dot_general3A_68 {strides = array<i32>} : memref<2048x128xf32, #tpu.memory_space<vmem>>, vector<256x128xf32>,
    %get3A_72 = arith.constant 10 : index
    %get3A_73 = arith.constant 0 : index
    %get3A_74 = vector.load %arg1[%get3A_72, %get3A_73] : memref<16x128xi32, #tpu.memory_space<vmem>>, vector<2x128xi32>
    %reshape3A_75 = vector.shape_cast %get3A_74 : vector<2x128xi32> to vector<1x256xi32>
    %eq3A_76 = vector.broadcast %iota3A : vector<1024x1xi32> to vector<1024x256xi32>
    %eq3A_77 = vector.broadcast %reshape3A_75 : vector<1x256xi32> to vector<1024x256xi32>
    %eq3A_78 = arith.cmpi eq, %eq3A_76, %eq3A_77 : vector<1024x256xi32>
    %convert_element_type3A_79 = arith.extui %eq3A_78 : vector<1024x256xi1> to vector<1024x256xi32>
    %convert_element_type3A_80 = arith.sitofp %convert_element_type3A_79 : vector<1024x256xi32> to vector<1024x256xf32>
    %convert_element_type3A_81 = arith.truncf %convert_element_type3A_80 : vector<1024x256xf32> to vector<1024x256xbf16>
    %dot_general3A_82 = arith.constant dense<0.000000e+00> : vector<256x128xf32>
    %dot_general3A_83 = tpu.matmul %convert_element_type3A_81, %get3A_1, %dot_general3A_82 {dimension_numbers = #tpu.dot_dimension_numbers<[0], [0], [1], [1], [0, 1, 1, 1], [], []>, transpose_lhs_hint = false} : vector<1024x256xbf16>, vector<1024x128xbf16>, vector<256x128xf32> -> vector<256x128xf32>
    %swap3A_84 = arith.constant 1280 : index
    %swap3A_85 = arith.constant 0 : index
    %swap3A_86 = vector.load %arg3[%swap3A_84, %swap3A_85] : memref<2048x128xf32, #tpu.memory_space<vmem>>, vector<256x128xf32>
    tpu.vector_store %arg3[%swap3A_84, %swap3A_85], %dot_general3A_83 {strides = array<i32>} : memref<2048x128xf32, #tpu.memory_space<vmem>>, vector<256x128xf32>,
    %get3A_87 = arith.constant 12 : index
    %get3A_88 = arith.constant 0 : index
    %get3A_89 = vector.load %arg1[%get3A_87, %get3A_88] : memref<16x128xi32, #tpu.memory_space<vmem>>, vector<2x128xi32>
    %reshape3A_90 = vector.shape_cast %get3A_89 : vector<2x128xi32> to vector<1x256xi32>
    %eq3A_91 = vector.broadcast %iota3A : vector<1024x1xi32> to vector<1024x256xi32>
    %eq3A_92 = vector.broadcast %reshape3A_90 : vector<1x256xi32> to vector<1024x256xi32>
    %eq3A_93 = arith.cmpi eq, %eq3A_91, %eq3A_92 : vector<1024x256xi32>
    %convert_element_type3A_94 = arith.extui %eq3A_93 : vector<1024x256xi1> to vector<1024x256xi32>
    %convert_element_type3A_95 = arith.sitofp %convert_element_type3A_94 : vector<1024x256xi32> to vector<1024x256xf32>
    %convert_element_type3A_96 = arith.truncf %convert_element_type3A_95 : vector<1024x256xf32> to vector<1024x256xbf16>
    %dot_general3A_97 = arith.constant dense<0.000000e+00> : vector<256x128xf32>
    %dot_general3A_98 = tpu.matmul %convert_element_type3A_96, %get3A_1, %dot_general3A_97 {dimension_numbers = #tpu.dot_dimension_numbers<[0], [0], [1], [1], [0, 1, 1, 1], [], []>, transpose_lhs_hint = false} : vector<1024x256xbf16>, vector<1024x128xbf16>, vector<256x128xf32> -> vector<256x128xf32>
    %swap3A_99 = arith.constant 1536 : index
    %swap3A_100 = arith.constant 0 : index
    %swap3A_101 = vector.load %arg3[%swap3A_99, %swap3A_100] : memref<2048x128xf32, #tpu.memory_space<vmem>>, vector<256x128xf32>
    tpu.vector_store %arg3[%swap3A_99, %swap3A_100], %dot_general3A_98 {strides = array<i32>} : memref<2048x128xf32, #tpu.memory_space<vmem>>, vector<256x128xf32>,
    %get3A_102 = arith.constant 14 : index
    %get3A_103 = arith.constant 0 : index
    %get3A_104 = vector.load %arg1[%get3A_102, %get3A_103] : memref<16x128xi32, #tpu.memory_space<vmem>>, vector<2x128xi32>
    %reshape3A_105 = vector.shape_cast %get3A_104 : vector<2x128xi32> to vector<1x256xi32>
    %eq3A_106 = vector.broadcast %iota3A : vector<1024x1xi32> to vector<1024x256xi32>
    %eq3A_107 = vector.broadcast %reshape3A_105 : vector<1x256xi32> to vector<1024x256xi32>
    %eq3A_108 = arith.cmpi eq, %eq3A_106, %eq3A_107 : vector<1024x256xi32>
    %convert_element_type3A_109 = arith.extui %eq3A_108 : vector<1024x256xi1> to vector<1024x256xi32>
    %convert_element_type3A_110 = arith.sitofp %convert_element_type3A_109 : vector<1024x256xi32> to vector<1024x256xf32>
    %convert_element_type3A_111 = arith.truncf %convert_element_type3A_110 : vector<1024x256xf32> to vector<1024x256xbf16>
    %dot_general3A_112 = arith.constant dense<0.000000e+00> : vector<256x128xf32>
    %dot_general3A_113 = tpu.matmul %convert_element_type3A_111, %get3A_1, %dot_general3A_112 {dimension_numbers = #tpu.dot_dimension_numbers<[0], [0], [1], [1], [0, 1, 1, 1], [], []>, transpose_lhs_hint = false} : vector<1024x256xbf16>, vector<1024x128xbf16>, vector<256x128xf32> -> vector<256x128xf32>
    %swap3A_114 = arith.constant 1792 : index
    %swap3A_115 = arith.constant 0 : index
    %swap3A_116 = vector.load %arg3[%swap3A_114, %swap3A_115] : memref<2048x128xf32, #tpu.memory_space<vmem>>, vector<256x128xf32>
    tpu.vector_store %arg3[%swap3A_114, %swap3A_115], %dot_general3A_113 {strides = array<i32>} : memref<2048x128xf32, #tpu.memory_space<vmem>>, vector<256x128xf32>,
    return
  }
  func.func @transform_0(%arg0: i32) -> (i32, i32) {
    %c0_i32 = arith.constant 0 : i32
    %c0_i32_0 = arith.constant 0 : i32
    return %arg0, %c0_i32 : i32, i32
  }
  func.func @transform_1(%arg0: i32) -> (i32, i32) {
    %c0_i32 = arith.constant 0 : i32
    %c0_i32_0 = arith.constant 0 : i32
    %c0_i32_1 = arith.constant 0 : i32
    return %c0_i32, %c0_i32_0 : i32, i32
  }
  func.func @transform_2(%arg0: i32) -> (i32, i32) {
    %c0_i32 = arith.constant 0 : i32
    %c0_i32_0 = arith.constant 0 : i32
    return %arg0, %c0_i32 : i32, i32
  }
}

</mosaic_0001>

<sc_bundles>
// kernel: kernel.4.cloned.1.call-start
scs
__scs_entry_jumppad:
0x0: {  	(pc) =	sbr.rel $0x88, $3  }
0x1: {  	(tag) =	ssettag $0x0;
	lr =	simm.s32 $0x1  }
0x2: {  	[smem:$0x3F9C] =	sst lr;
	_ =	strace $0xD0000000  }
0x3: {  	_ = 	snop  }
0x4: {  	_ = 	snop  }
0x5: {  	_ = 	snop  }
0x6: {  	_ = 	snop  }
0x7: {  	_ = 	snop  }
__scs_overlays_trampoline_lowered:
0x8: {  	[smem:$0x3FAB] =	sst s0  }
0x9: {  	[smem:$0x3FAC] =	sst s1  }
0xa: {  	[smem:$0x3FAD] =	sst s2  }
0xb: {  	[smem:$0x3FAE] =	sst s3  }
0xc: {  	[smem:$0x3FAF] =	sst s4  }
0xd: {  	[smem:$0x3FB0] =	sst s5  }
0xe: {  	[smem:$0x3FB1] =	sst s6  }
0xf: {  	[smem:$0x3FB2] =	sst s7  }
0x10: {  	[smem:$0x3FB3] =	sst s8  }
0x11: {  	[smem:$0x3FB4] =	sst s9;
	s0 =	simm.s32 @!p0 $0x0  }
0x12: {  	s1 =	sld [smem:$0x3F9A];
	s0 =	simm.s32 @p0 $0x1  }
0x13: {  	[smem:$0x3FB5] =	sst s0;
	s0 =	simm.s32 @!p1 $0x0  }
0x14: {  	s2 =	sld [smem:$0x3F99];
	s0 =	simm.s32 @p1 $0x1  }
0x15: {  	[smem:$0x3FB6] =	sst s0;
	s0 =	simm.s32 @!p2 $0x0  }
0x16: {  	s3 =	sld [smem:$0x3FDB];
	s0 =	simm.s32 @p2 $0x1  }
0x17: {  	s4 =	simm.s32 $0x1BF5;
	[smem:$0x3FB8] =	sst s0  }
0x18: {  	s0 =	sld [smem:$0x3F9B];
	_ =	swait.ge [sflag:s4], $0x0  }
0x19: {  	s7 =	sld [smem:$0x3F9C]  }
0x1a: {  	s8 =	sadd.s32 $0xFFFFE003, lr  }
0x1b: {  	s9 =	sadd.s32 $0xFFFFFEF7, lr;
	s5 =	simm.s32 $0xFFFFFFFF;
	p2 =	slt.u32 s8, $0xFFFFF086  }
0x1c: {  	p1 =	slt.u32 s9, $0xF7A;
	s5 =	simm.s32 @!p2 $0x0  }
0x1d: {  	s5 =	simm.s32 @p1 $0x1;
	p0 =	seq.s32 s7, s2  }
0x1e: {  	s7 =	smul.u32 @!p0 $0xF7A, s2;
	p2 =	seq.s32 @!p0 s5, $0x0  }
0x1f: {  	s9 =	smul.u32 $0xF7A, s1;
	s8 =	simm.s32 @!p0 $0x1BF5;
	p2 =	por !p2, p0  }
0x20: {  	[sflag:s8] =	ssyncset.s32 @!p0 $0xFFFFF086;
	s6 =	sadd.s32 @!p0 s3, s7;
	s7 =	simm.s32 @!p0 $0x108  }
0x21: {  	s3 =	sadd.s32 s3, s9;
	s6 =	sadd.s32 @!p0 $0x88, s6;
	s7 =	simm.s32 @p2 $0x1082  }
0x22: {  	[simem:s7], [sflag:s8] =	dma.local @!p0 [hbm:s6], $0xF7A  }
0x23: {  	s9 =	sor.u32 $0xD0000000, s2;
	s6 =	simm.s32 $0x108;
	_ =	swait.ge @!p0 [sflag:s8], $0x0  }
0x24: {  	s3 =	sadd.s32 $0x88, s3;
	s6 =	simm.s32 @!p1 $0x1082;
	[sflag:s4] =	ssyncset.s32 $0xFFFFF086  }
0x25: {  	[simem:s6], [sflag:s4] =	dma.local [hbm:s3], $0xF7A  }
0x26: {  	[smem:$0x3F9C] =	sst s1;
	(tag) =	ssettag s2;
	_ =	strace s9  }
0x27: {  	s1 =	sld [smem:$0x3FAC]  }
0x28: {  	s2 =	sld [smem:$0x3FAD]  }
0x29: {  	s4 =	sld [smem:$0x3FAF]  }
0x2a: {  	p0 =	seq.s32 s5, $0x0;
	s5 =	sld [smem:$0x3FB0]  }
0x2b: {  	s6 =	sld [smem:$0x3FB1]  }
0x2c: {  	s7 =	sld [smem:$0x3FB2]  }
0x2d: {  	s3 =	simm.s32 $0x108;
	s8 =	sld [smem:$0x3FB3]  }
0x2e: {  	s3 =	simm.s32 @!p0 $0x1082;
	s9 =	sld [smem:$0x3FB4]  }
0x2f: {  	lr =	sadd.s32 s0, s3;
	s0 =	sld [smem:$0x3FAB]  }
0x30: {  	s3 =	sld [smem:$0x3FAE]  }
0x31: {  	[smem:$0x3FB7] =	sst s10  }
0x32: {  	s10 =	sld [smem:$0x3FB5];
	_ =	sdelay $0x3  }
0x33: {  	p0 =	seq.s32 s10, $0x1;
	s10 =	sld [smem:$0x3FB7];
	_ =	sdelay $0x3  }
0x34: {  	[smem:$0x3FB7] =	sst s10  }
0x35: {  	s10 =	sld [smem:$0x3FB6];
	_ =	sdelay $0x3  }
0x36: {  	p1 =	seq.s32 s10, $0x1;
	s10 =	sld [smem:$0x3FB7];
	_ =	sdelay $0x3  }
0x37: {  	[smem:$0x3FB7] =	sst s10  }
0x38: {  	s10 =	sld [smem:$0x3FB8]  }
0x39: {  	_ = 	snop;
	(pc) =	sbr.ind lr, $3  }
0x3a: {  	_ = 	snop  }
0x3b: {  	_ = 	snop  }
0x3c: {  	p2 =	seq.s32 s10, $0x1;
	s10 =	sld [smem:$0x3FB7]  }
0x3d: {  	_ =	shalt  }
0x3e: {  	_ =	shalt  }
0x3f: {  	_ =	shalt  }
0x40: {  	_ =	shalt  }
0x41: {  	_ =	shalt  }
0x42: {  	_ =	shalt  }
0x43: {  	_ =	shalt  }
0x44: {  	_ =	shalt  }
0x45: {  	_ =	shalt  }
0x46: {  	_ =	shalt  }
0x47: {  	_ =	shalt  }
0x48: {  	_ =	shalt  }
0x49: {  	_ =	shalt  }
0x4a: {  	_ =	shalt  }
0x4b: {  	_ =	shalt  }
0x4c: {  	_ =	shalt  }
0x4d: {  	_ =	shalt  }
0x4e: {  	_ =	shalt  }
0x4f: {  	_ =	shalt  }
0x50: {  	_ =	shalt  }
0x51: {  	_ =	shalt  }
0x52: {  	_ =	shalt  }
0x53: {  	_ =	shalt  }
0x54: {  	_ =	shalt  }
0x55: {  	_ =	shalt  }
0x56: {  	_ =	shalt  }
0x57: {  	_ =	shalt  }
0x58: {  	_ =	shalt  }
0x59: {  	_ =	shalt  }
0x5a: {  	_ =	shalt  }
0x5b: {  	_ =	shalt  }
0x5c: {  	_ =	shalt  }
0x5d: {  	_ =	shalt  }
0x5e: {  	_ =	shalt  }
0x5f: {  	_ =	shalt  }
0x60: {  	_ =	shalt  }
0x61: {  	_ =	shalt  }
0x62: {  	_ =	shalt  }
0x63: {  	_ =	shalt  }
0x64: {  	_ =	shalt  }
0x65: {  	_ =	shalt  }
0x66: {  	_ =	shalt  }
0x67: {  	_ =	shalt  }
0x68: {  	_ =	shalt  }
0x69: {  	_ =	shalt  }
0x6a: {  	_ =	shalt  }
0x6b: {  	_ =	shalt  }
0x6c: {  	_ =	shalt  }
0x6d: {  	_ =	shalt  }
0x6e: {  	_ =	shalt  }
0x6f: {  	_ =	shalt  }
0x70: {  	_ =	shalt  }
0x71: {  	_ =	shalt  }
0x72: {  	_ =	shalt  }
0x73: {  	_ =	shalt  }
0x74: {  	_ =	shalt  }
0x75: {  	_ =	shalt  }
0x76: {  	_ =	shalt  }
0x77: {  	_ =	shalt  }
0x78: {  	_ =	shalt  }
0x79: {  	_ =	shalt  }
0x7a: {  	_ =	shalt  }
0x7b: {  	_ =	shalt  }
0x7c: {  	_ =	shalt  }
0x7d: {  	_ =	shalt  }
0x7e: {  	_ =	shalt  }
0x7f: {  	_ =	shalt  }
0x80: {  	_ =	shalt  }
0x81: {  	_ =	shalt  }
0x82: {  	_ =	shalt  }
0x83: {  	_ =	shalt  }
0x84: {  	_ =	shalt  }
0x85: {  	_ =	shalt  }
0x86: {  	_ =	shalt  }
0x87: {  	_ =	shalt  }
.Lfunc_end0:
.L_simem_size_0:
called_computation_lowered:
.L_overlay_start_0:
0x88: {  	s2 =	sld [smem:$0x3FD9]  }
0x89: {  	s3 =	sld [smem:$0x3FFE];
	_ =	sdelay $0x1  }
0x8a: {  	s1 =	srdreg.scid  }
0x8b: {  	s0 =	sand.u32 $0x1, s1  }
0x8c: {  	s15 =	sshll.u32 s0, $0xA;
	s2 =	sadd.s32 s3, s2  }
0x8d: {  	s2 =	sadd.s32 s2, s15  }
0x8e: {  	[smem:$0x3FC3] =	sst s2  }
0x8f: {  	_ = 	snop  }
0x90: {  	s2 =	sld [smem:$0x3FD0]  }
0x91: {  	s16 =	sld [smem:$0x3FC9]  }
0x92: {  	s4 =	sld [smem:$0x3FC7]  }
0x93: {  	s6 =	simm.s32 $0xA;
	s7 =	simm.s32 $0x10;
	s5 =	sld [smem:$0x3FC6]  }
0x94: {  	[smem:s7], [sflag:s6] =	dma.local [hbm:s2], $0x1  }
0x95: {  	_ =	swait.eq [sflag:s6], $0x1  }
0x96: {  	[sflag:s6] =	ssyncset.done $0x0  }
0x97: {  	s17 =	sld [smem:$0x10];
	[sflag:s6] =	ssyncadd.s32 $0xFFFFFFFF  }
0x98: {  	s18 =	sld [smem:$0x12];
	(tm) =	ssettm $0x1  }
0x99: {  	s19 =	sld [smem:$0x3FFB];
	_ =	sdelay $0x3  }
0x9a: {  	_ =	strace s19  }
0x9b: {  	s7 =	sld [smem:$0x3FFC];
	_ =	sdelay $0x3  }
0x9c: {  	_ =	strace s7  }
0x9d: {  	s7 =	sld [smem:$0x3FFD];
	_ =	sdelay $0x3  }
0x9e: {  	_ =	strace s7  }
0x9f: {  	_ =	strace $0x8FFFFFFF  }
0xa0: {  	s20 =	sld [smem:$0x3FDB];
	_ =	sdelay $0x1  }
0xa1: {  	s8 =	simm.s32 $_scs_section_size  }
0xa2: {  	s9 =	simm.s32 $_size__tile_overlayer_lowered;
	s10 =	simm.s32 $_tile_overlayer_lowered  }
0xa3: {  	s23 =	simm.s32 $0x1BFF;
	s22 =	sshll.u32 s10, $0x1;
	s7 =	sadd.s32 s8, s20  }
0xa4: {  	s11 =	simm.s32 $0x0;
	s21 =	sshll.u32 s9, $0x1;
	s9 =	sadd.s32 s22, s7  }
0xa5: {  	[timem:s11], [sflag:s23] =	dma.local [hbm:s9], s21  }
0xa6: {  	_ =	swait.ge [sflag:s23], s21  }
0xa7: {  	s8 =	ssub.s32 $0x0, s21;
	[sflag:s23] =	ssyncset.done $0x0  }
0xa8: {  	[sflag:s23] =	ssyncadd.s32 s8;
	_ =	sdelay $0x1  }
0xa9: {  	s24 =	simm.s32 $0x1B8B  }
0xaa: {  	_ =	swait.ge [sflag:s24], $0x1  }
0xab: {  	[sflag:s24] =	ssyncset.done $0x0  }
0xac: {  	s25 =	simm.s32 $0x1B8E;
	[sflag:s24] =	ssyncadd.s32 $0xFFFFFFFF  }
0xad: {  	s26 =	simm.s32 $execute0_lowered;
	[smem:$0x3FD2] =	sst s25  }
0xae: {  	s8 =	sshll.u32 s26, $0x1;
	_ =	strace $0x80000046;
	[dreg:$0x1] =	wrdreg $0xFFFFFFFF  }
0xaf: {  	s28 =	simm.s32 $_size_execute0_lowered;
	s7 =	sadd.s32 s7, s8;
	[dreg:$0x0] =	wrdreg $0x0  }
0xb0: {  	s8 =	sshll.u32 s28, $0x1;
	[dreg:$0x2] =	wrdreg s7  }
0xb1: {  	[dreg:$0x3] =	wrdreg s8  }
0xb2: {  	[dreg:$0x4] =	wrdreg $0xC0  }
0xb3: {  	_ =	task [dreg:s11], $0x5FFFF  }
0xb4: {  	[dreg:$0x1] =	wrdreg $0xFFFFFFFF  }
0xb5: {  	[dreg:$0x0] =	wrdreg $0x60  }
0xb6: {  	[dreg:$0x2] =	wrdreg s16  }
0xb7: {  	[dreg:$0x3] =	wrdreg s4  }
0xb8: {  	[dreg:$0x4] =	wrdreg s5  }
0xb9: {  	[dreg:$0x5] =	wrdreg s17  }
0xba: {  	[dreg:$0x6] =	wrdreg s18  }
0xbb: {  	[dreg:$0x7] =	wrdreg $0x9  }
0xbc: {  	_ =	task.clear_ibuf [dreg:s11], $0x8FFFF;
	_ =	strace $0x90000046  }
0xbd: {  	s29 =	simm.s32 $0x9;
	_ =	strace $0x80000048  }
0xbe: {  	_ =	swait.ge [sflag:s29], $0x1  }
0xbf: {  	[sflag:s29] =	ssyncadd.s32 $0xFFFFFFFF  }
0xc0: {  	_ =	strace $0x90000048  }
0xc1: {  	_ =	sfence  }
0xc2: {  	s30 =	sld [smem:$0x0];
	_ =	sdelay $0x2  }
0xc3: {  	s31 =	sshll.u32 s1, $0xD;
	s1 =	sshrl.u32 s1, $0x2  }
0xc4: {  	s3 =	sand.u32 $0x4000, s31;
	s1 =	sadd.s32 s1, s30  }
0xc5: {  	s0 =	sor.u32 s3, s0;
	s1 =	sshll.u32 s1, $0x11  }
0xc6: {  	s0 =	sor.u32 s1, s0  }
0xc7: {  	s0 =	sadd.s32 $0x8F2B, s0  }
0xc8: {  	[sflag:s0] =	ssyncadd.remote.s32 $0x1  }
0xc9: {  	_ =	sfence.sel $0xFFFF  }
0xca: {  	[dreg:$0x0] =	wrdreg $0xFFFFFFFF;
	(pc) =	sbr.abs _section_cstart, $3  }
0xcb: {  	[dreg:$0x1] =	wrdreg $0xFFFFFFFF  }
0xcc: {  	_ =	task.clear_ibuf [dreg:s11], $0x2FFFF;
	_ =	strace $0x9FFFFFFF  }
0xcd: {  	(tm) =	ssettm $0x7FFFFFFF  }
tec
execute0_lowered:
.L_overlay_start_1:
0x0: {  	(tag) =	ssettag $0x1  }
0x1: {  	s4 =	rddreg [dreg:$0x0]  }
0x2: {  	s6 =	rddreg [dreg:$0x1]  }
0x3: {  	s2 =	rddreg [dreg:$0x2]  }
0x4: {  	s23 =	rddreg [dreg:$0x3]  }
0x5: {  	s25 =	rddreg [dreg:$0x4];
	s3 =	srdreg.scid  }
0x6: {  	s0 =	rddreg [dreg:$0x5];
	s1 =	stileid.u32;
	s26 =	sand.u32 $0x1, s3  }
0x7: {  	s3 =	simm.s32 $0x0;
	s5 =	sshll.u32 s1, $0x7;
	s7 =	sshll.u32 s26, $0x6  }
0x8: {  	[smem:$0x7FF] =	sst s3;
	s7 =	sor.u32 s7, s5  }
0x9: {  	_ =	strace $0x80000047;
	s5 =	simm.s32 $0x3;
	s4 =	sadd.s32 s4, s7  }
0xa: {  	[tilespmem:s3], [sflag:$0x3] =	stream.linear.gather [hbm4b:s4+s3], $0x200, $0x38;
	[tilespmem:$0x18400] =	vst v63  }
0xb: {  	_ =	swait.ge [sflag:s5], $0x200  }
0xc: {  	[sflag:s5] =	ssyncset.done $0x0  }
0xd: {  	s6 =	sadd.s32 s6, s7;
	s7 =	simm.s32 $0x200;
	[sflag:s5] =	ssyncadd.s32 $0xFFFFFE00  }
0xe: {  	[tilespmem:s7], [sflag:$0x3] =	stream.linear.gather [hbm4b:s6+s3], $0x200, $0x38;
	[tilespmem:$0x18400] =	vst v63  }
0xf: {  	_ =	swait.ge [sflag:s5], $0x200  }
0x10: {  	[sflag:s5] =	ssyncset.done $0x0  }
0x11: {  	s8 =	simm.s32 $0x80;
	s9 =	simm.s32 $0x400;
	[sflag:s5] =	ssyncadd.s32 $0xFFFFFE00  }
0x12: {  	[tilespmem:s9], [sflag:$0x1] =	stream.indirect.gather [hbm4b:s2+s8], $0x80, s3, s8, $0xb8;
	[tilespmem:$0x18400] =	vst v63  }
0x13: {  	s10 =	simm.s32 $0x4400  }
0x14: {  	[tilespmem:s10], [sflag:$0x1] =	stream.indirect.gather [hbm4b:s2+s8], $0x80, s8, s8, $0xb8;
	[tilespmem:$0x18400] =	vst v63  }
0x15: {  	s11 =	simm.s32 $0x100;
	s12 =	simm.s32 $0x8400  }
0x16: {  	[tilespmem:s12], [sflag:$0x1] =	stream.indirect.gather [hbm4b:s2+s8], $0x80, s11, s8, $0xb8;
	[tilespmem:$0x18400] =	vst v63  }
0x17: {  	s13 =	simm.s32 $0x180;
	s14 =	simm.s32 $0xC400  }
0x18: {  	[tilespmem:s14], [sflag:$0x1] =	stream.indirect.gather [hbm4b:s2+s8], $0x80, s13, s8, $0xb8;
	[tilespmem:$0x18400] =	vst v63  }
0x19: {  	s15 =	simm.s32 $0x10400  }
0x1a: {  	[tilespmem:s15], [sflag:$0x1] =	stream.indirect.gather [hbm4b:s2+s8], $0x80, s7, s8, $0xb8;
	[tilespmem:$0x18400] =	vst v63  }
0x1b: {  	s16 =	simm.s32 $0x280;
	s17 =	simm.s32 $0x14400;
	s18 =	simm.s32 $0x1  }
0x1c: {  	[tilespmem:s17], [sflag:$0x1] =	stream.indirect.gather [hbm4b:s2+s8], $0x80, s16, s8, $0xb8;
	[tilespmem:$0x18400] =	vst v63  }
0x1d: {  	_ =	swait.ge [sflag:s18], $0x4000  }
0x1e: {  	[sflag:s18] =	ssyncset.done $0x0  }
0x1f: {  	[sflag:s18] =	ssyncadd.s32 $0xFFFFC000  }
0x20: {  	s19 =	sshll.u32 s1, $0xE;
	s20 =	sshll.u32 s26, $0xD;
	_ =	swait.ge [sflag:s18], $0x4000  }
0x21: {  	s24 =	sor.u32 s20, s19;
	[sflag:s18] =	ssyncset.done $0x0  }
0x22: {  	s19 =	simm.s32 $0x2;
	s20 =	sadd.s32 s23, s24;
	[sflag:s18] =	ssyncadd.s32 $0xFFFFC000  }
0x23: {  	[hbm4b:s20+s3] =	stream.linear.scatter [tilespmem:s9], [sflag:$0x2], $0x8000, $0x38;
	[tilespmem:$0x18400] =	vst v63  }
0x24: {  	_ =	swait.ge [sflag:s19], $0x8000  }
0x25: {  	[sflag:s19] =	ssyncset.done $0x0  }
0x26: {  	s21 =	simm.s32 $0x300;
	[sflag:s19] =	ssyncadd.s32 $0xFFFF8000  }
0x27: {  	[tilespmem:s9], [sflag:$0x1] =	stream.indirect.gather [hbm4b:s2+s8], $0x80, s21, s8, $0xb8;
	[tilespmem:$0x18400] =	vst v63  }
0x28: {  	s22 =	simm.s32 $0x380  }
0x29: {  	[tilespmem:s10], [sflag:$0x1] =	stream.indirect.gather [hbm4b:s2+s8], $0x80, s22, s8, $0xb8;
	[tilespmem:$0x18400] =	vst v63  }
0x2a: {  	_ =	swait.ge [sflag:s18], $0x4000  }
0x2b: {  	[sflag:s18] =	ssyncset.done $0x0  }
0x2c: {  	[sflag:s18] =	ssyncadd.s32 $0xFFFFC000  }
0x2d: {  	_ =	swait.ge [sflag:s18], $0x4000  }
0x2e: {  	s28 =	sor.u32 $0x1000, s24;
	[sflag:s18] =	ssyncset.done $0x0  }
0x2f: {  	s23 =	sadd.s32 s23, s28;
	[sflag:s18] =	ssyncadd.s32 $0xFFFFC000  }
0x30: {  	[hbm4b:s23+s3] =	stream.linear.scatter [tilespmem:s12], [sflag:$0x2], $0x8000, $0x38;
	[tilespmem:$0x18400] =	vst v63  }
0x31: {  	_ =	swait.ge [sflag:s18], $0x4000  }
0x32: {  	[sflag:s18] =	ssyncset.done $0x0  }
0x33: {  	[sflag:s18] =	ssyncadd.s32 $0xFFFFC000  }
0x34: {  	_ =	swait.ge [sflag:s18], $0x4000  }
0x35: {  	[sflag:s18] =	ssyncset.done $0x0  }
0x36: {  	s24 =	sadd.s32 s25, s24;
	[sflag:s18] =	ssyncadd.s32 $0xFFFFC000  }
0x37: {  	[hbm4b:s24+s3] =	stream.linear.scatter [tilespmem:s15], [sflag:$0x2], $0x8000, $0x38;
	[tilespmem:$0x18400] =	vst v63  }
0x38: {  	_ =	swait.ge [sflag:s18], $0x4000  }
0x39: {  	[sflag:s18] =	ssyncset.done $0x0  }
0x3a: {  	[sflag:s18] =	ssyncadd.s32 $0xFFFFC000  }
0x3b: {  	_ =	swait.ge [sflag:s18], $0x4000  }
0x3c: {  	s26 =	ssub.s32 $0x2, s26;
	[sflag:s18] =	ssyncset.done $0x0  }
0x3d: {  	s31 =	sshrl.u32 s26, $0x1;
	s25 =	sadd.s32 s25, s28;
	[sflag:s18] =	ssyncadd.s32 $0xFFFFC000  }
0x3e: {  	[hbm4b:s25+s3] =	stream.linear.scatter [tilespmem:s9], [sflag:$0x2], $0x8000, $0x38;
	[tilespmem:$0x18400] =	vst v63  }
0x3f: {  	s26 =	ssub.s32 s26, s31;
	_ =	swait.ge [sflag:s19], $0x8000  }
0x40: {  	s26 =	smax.u32 s26, $0x1;
	[sflag:s19] =	ssyncset.done $0x0  }
0x41: {  	p0 =	sne.s32 s26, $0x1;
	[sflag:s19] =	ssyncadd.s32 $0xFFFF8000  }
.Ltmp0:
0x42: {  	_ =	swait.ge [sflag:s19], $0x8000;
	(pc) =	sbr.rel @!p0 .LBB2_2-.Ltmp0, $4  }
0x43: {  	[sflag:s19] =	ssyncset.done $0x0  }
0x44: {  	[sflag:s19] =	ssyncadd.s32 $0xFFFF8000  }
0x45: {  	_ =	swait.ge [sflag:s19], $0x8000  }
0x46: {  	s26 =	sadd.s32 $0xFFFFFFFF, s26;
	[sflag:s19] =	ssyncset.done $0x0  }
.LBB2_1:
0x47: {  	p0 =	sne.s32 s26, $0x1;
	s26 =	sadd.s32 $0xFFFFFFFF, s26;
	[sflag:s19] =	ssyncadd.s32 $0xFFFF8000  }
0x48: {  	[tilespmem:s3], [sflag:$0x3] =	stream.linear.gather [hbm4b:s4+s3], $0x200, $0x38;
	[tilespmem:$0x18400] =	vst v63  }
0x49: {  	_ =	swait.ge [sflag:s5], $0x200  }
0x4a: {  	[sflag:s5] =	ssyncset.done $0x0  }
0x4b: {  	[sflag:s5] =	ssyncadd.s32 $0xFFFFFE00  }
0x4c: {  	[tilespmem:s7], [sflag:$0x3] =	stream.linear.gather [hbm4b:s6+s3], $0x200, $0x38;
	[tilespmem:$0x18400] =	vst v63  }
0x4d: {  	_ =	swait.ge [sflag:s5], $0x200  }
0x4e: {  	[sflag:s5] =	ssyncset.done $0x0  }
0x4f: {  	[sflag:s5] =	ssyncadd.s32 $0xFFFFFE00  }
0x50: {  	[tilespmem:s9], [sflag:$0x1] =	stream.indirect.gather [hbm4b:s2+s8], $0x80, s3, s8, $0xb8;
	[tilespmem:$0x18400] =	vst v63  }
0x51: {  	_ = 	snop  }
0x52: {  	[tilespmem:s10], [sflag:$0x1] =	stream.indirect.gather [hbm4b:s2+s8], $0x80, s8, s8, $0xb8;
	[tilespmem:$0x18400] =	vst v63  }
0x53: {  	_ = 	snop  }
0x54: {  	[tilespmem:s12], [sflag:$0x1] =	stream.indirect.gather [hbm4b:s2+s8], $0x80, s11, s8, $0xb8;
	[tilespmem:$0x18400] =	vst v63  }
0x55: {  	_ = 	snop  }
0x56: {  	[tilespmem:s14], [sflag:$0x1] =	stream.indirect.gather [hbm4b:s2+s8], $0x80, s13, s8, $0xb8;
	[tilespmem:$0x18400] =	vst v63  }
0x57: {  	_ = 	snop  }
0x58: {  	[tilespmem:s15], [sflag:$0x1] =	stream.indirect.gather [hbm4b:s2+s8], $0x80, s7, s8, $0xb8;
	[tilespmem:$0x18400] =	vst v63  }
0x59: {  	_ = 	snop  }
0x5a: {  	[tilespmem:s17], [sflag:$0x1] =	stream.indirect.gather [hbm4b:s2+s8], $0x80, s16, s8, $0xb8;
	[tilespmem:$0x18400] =	vst v63  }
0x5b: {  	_ =	swait.ge [sflag:s18], $0x4000  }
0x5c: {  	[sflag:s18] =	ssyncset.done $0x0  }
0x5d: {  	[sflag:s18] =	ssyncadd.s32 $0xFFFFC000  }
0x5e: {  	_ =	swait.ge [sflag:s18], $0x4000  }
0x5f: {  	[sflag:s18] =	ssyncset.done $0x0  }
0x60: {  	[sflag:s18] =	ssyncadd.s32 $0xFFFFC000  }
0x61: {  	[hbm4b:s20+s3] =	stream.linear.scatter [tilespmem:s9], [sflag:$0x2], $0x8000, $0x38;
	[tilespmem:$0x18400] =	vst v63  }
0x62: {  	_ =	swait.ge [sflag:s19], $0x8000  }
0x63: {  	[sflag:s19] =	ssyncset.done $0x0  }
0x64: {  	[sflag:s19] =	ssyncadd.s32 $0xFFFF8000  }
0x65: {  	[tilespmem:s9], [sflag:$0x1] =	stream.indirect.gather [hbm4b:s2+s8], $0x80, s21, s8, $0xb8;
	[tilespmem:$0x18400] =	vst v63  }
0x66: {  	_ = 	snop  }
0x67: {  	[tilespmem:s10], [sflag:$0x1] =	stream.indirect.gather [hbm4b:s2+s8], $0x80, s22, s8, $0xb8;
	[tilespmem:$0x18400] =	vst v63  }
0x68: {  	_ =	swait.ge [sflag:s18], $0x4000  }
0x69: {  	[sflag:s18] =	ssyncset.done $0x0  }
0x6a: {  	[sflag:s18] =	ssyncadd.s32 $0xFFFFC000  }
0x6b: {  	_ =	swait.ge [sflag:s18], $0x4000  }
0x6c: {  	[sflag:s18] =	ssyncset.done $0x0  }
0x6d: {  	[sflag:s18] =	ssyncadd.s32 $0xFFFFC000  }
0x6e: {  	[hbm4b:s23+s3] =	stream.linear.scatter [tilespmem:s12], [sflag:$0x2], $0x8000, $0x38;
	[tilespmem:$0x18400] =	vst v63  }
0x6f: {  	_ =	swait.ge [sflag:s18], $0x4000  }
0x70: {  	[sflag:s18] =	ssyncset.done $0x0  }
0x71: {  	[sflag:s18] =	ssyncadd.s32 $0xFFFFC000  }
0x72: {  	_ =	swait.ge [sflag:s18], $0x4000  }
0x73: {  	[sflag:s18] =	ssyncset.done $0x0  }
0x74: {  	[sflag:s18] =	ssyncadd.s32 $0xFFFFC000  }
0x75: {  	[hbm4b:s24+s3] =	stream.linear.scatter [tilespmem:s15], [sflag:$0x2], $0x8000, $0x38;
	[tilespmem:$0x18400] =	vst v63  }
0x76: {  	_ =	swait.ge [sflag:s18], $0x4000  }
0x77: {  	[sflag:s18] =	ssyncset.done $0x0  }
0x78: {  	[sflag:s18] =	ssyncadd.s32 $0xFFFFC000  }
0x79: {  	_ =	swait.ge [sflag:s18], $0x4000  }
0x7a: {  	[sflag:s18] =	ssyncset.done $0x0  }
0x7b: {  	[sflag:s18] =	ssyncadd.s32 $0xFFFFC000  }
0x7c: {  	[hbm4b:s25+s3] =	stream.linear.scatter [tilespmem:s9], [sflag:$0x2], $0x8000, $0x38;
	[tilespmem:$0x18400] =	vst v63  }
0x7d: {  	_ =	swait.ge [sflag:s19], $0x8000  }
0x7e: {  	[sflag:s19] =	ssyncset.done $0x0  }
0x7f: {  	[sflag:s19] =	ssyncadd.s32 $0xFFFF8000  }
.Ltmp1:
0x80: {  	_ =	swait.ge [sflag:s19], $0x8000;
	(pc) =	sbr.rel @p0 .LBB2_1-.Ltmp1, $4  }
0x81: {  	[sflag:s19] =	ssyncset.done $0x0  }
0x82: {  	[sflag:s19] =	ssyncadd.s32 $0xFFFF8000  }
0x83: {  	_ =	swait.ge [sflag:s19], $0x8000  }
0x84: {  	[sflag:s19] =	ssyncset.done $0x0  }
.LBB2_2:
0x85: {  	[sflag:s19] =	ssyncadd.s32 $0xFFFF8000  }
0x86: {  	_ =	sfence.sel $0x180000  }
0x87: {  	[bflag:$0x0] =	sbarrier.arrive $0xFFFF  }
0x88: {  	p0 =	sne.s32 s1, $0x0;
	_ =	strace $0x90000047  }
0x89: {  	s0 =	sadd.s32 @!p0 $0x100000, s0;
	[bflag:$0x2] =	sbarrier.arrive $0xFFFF  }
0x8a: {  	[sflag:s0] =	ssyncadd.tile.s32 @!p0 $0x1;
	_ =	shalt  }
.Lfunc_end2:
_tile_overlayer_lowered:
.L_overlay_start_2:
0x8b: {  	(tag) =	ssettag $0x2  }
0x8c: {  	s0 =	rddreg [dreg:$0x0];
	s2 =	stileid.u32  }
0x8d: {  	s1 =	rddreg [dreg:$0x1];
	p0 =	sne.s32 s2, $0x0  }
0x8e: {  	s3 =	rddreg [dreg:$0x2];
	[bflag:$0x3] =	sbarrier.arrive $0xFFFF;
	s2 =	simm.s32 @!p0 $0x1C03  }
0x8f: {  	[timem:s3], [sflag:s2] =	dma.local @!p0 [hbm:s0], s1  }
0x90: {  	s0 =	simm.s32 @!p0 $0x3  }
0x91: {  	_ =	swait.ge @!p0 [sflag:s0], s1  }
0x92: {  	s1 =	ssub.s32 @!p0 $0x0, s1;
	[sflag:s0] =	ssyncset.done @!p0 $0x0  }
0x93: {  	[sflag:s0] =	ssyncadd.s32 @!p0 s1  }
0x94: {  	[bflag:$0x3] =	sbarrier.arrive $0xFFFF  }
0x95: {  	_ =	shalt  }

</sc_bundles>
